<compile_context>
chip_gen: v7x
topology: tpu7x:2x2x1
jax: 0.10.2.dev20260603
libtpu: 0.0.44.dev20260713+nightly
codegen_flags: <defaults>
</compile_context>

<pallas_src>
import functools

import jax
import jax.numpy as jnp
from jax import lax
from jax.experimental import pallas as pl
from jax.experimental.pallas import tpu as pltpu
from jax.experimental.pallas import tpu_sc as plsc

B = 16384
E = 32
K = 20
W = K + 1
NC, NS, L = 2, 16, 16
NW = NC * NS
BT = B // NW
C = 128
NCHUNK = BT // C
SW = 24

_sc_mesh = plsc.VectorSubcoreMesh(core_axis_name="c", subcore_axis_name="s")


@functools.partial(
    pl.kernel,
    out_type=jax.ShapeDtypeStruct((NW * NCHUNK, SW, C), jnp.float32),
    mesh=_sc_mesh,
    compiler_params=pltpu.CompilerParams(needs_layout_passes=False,
                                         use_tc_tiling_on_sc=False),
    scratch_types=[
        pltpu.VMEM((C,), jnp.int32),
        pltpu.VMEM((SW, C), jnp.int32),
        pltpu.VMEM((C, E), jnp.float32),
        pltpu.VMEM((C * W, E), jnp.float32),
        pltpu.VMEM((SW, C), jnp.float32),
        pltpu.SemaphoreType.DMA,
    ],
)
def _sc_scores(cidx_h, widx_h, embc_h, embo_h, out_h,
               cidx_v, widx_v, crows, wrows, scores_v, sem):
    wid = lax.axis_index("s") * NC + lax.axis_index("c")
    iota = lax.iota(jnp.int32, L)

    def chunk_body(ci, _):
        chunk = wid * NCHUNK + ci
        base = chunk * C
        pltpu.sync_copy(cidx_h.at[pl.ds(base, C)], cidx_v)
        pltpu.sync_copy(widx_h.at[chunk], widx_v)
        handles = [pltpu.async_copy(embc_h.at[cidx_v], crows, sem)]
        for j in range(W):
            handles.append(
                pltpu.async_copy(embo_h.at[widx_v.at[j]],
                                 wrows.at[pl.ds(j * C, C)], sem))
        for h in handles:
            h.wait()

        def group_body(g, _):
            rows = g * L + iota
            wrow0 = rows * W

            def e_body(e, accs):
                ecol = (iota + e) & (E - 1)
                c_e = plsc.load_gather(crows, [rows, ecol])
                return tuple(
                    acc + c_e * plsc.load_gather(wrows, [wrow0 + k, ecol])
                    for k, acc in enumerate(accs))

            accs = lax.fori_loop(
                0, E, e_body,
                tuple(jnp.zeros((L,), jnp.float32) for _ in range(W)))
            for k in range(W):
                scores_v[k, pl.ds(g * L, L)] = accs[k]
            zero = jnp.zeros((L,), jnp.float32)
            for k in range(W, SW):
                scores_v[k, pl.ds(g * L, L)] = zero
            return 0

        lax.fori_loop(0, C // L, group_body, 0)
        pltpu.sync_copy(scores_v, out_h.at[chunk])
        return 0

    lax.fori_loop(0, NCHUNK, chunk_body, 0)


_TC_ROWS = (NW * NCHUNK * SW)
_TC_BLK = _TC_ROWS // 8


def _tc_loss_body(s_ref, o_ref):
    i = pl.program_id(0)
    x = s_ref[...]
    r = lax.broadcasted_iota(jnp.int32, x.shape, 0) % SW
    pos = r == 0
    neg = (r >= 1) & (r <= K)
    v = jax.nn.log_sigmoid(jnp.where(pos, x, -x))
    v = jnp.where(pos | neg, v, 0.0)
    part = jnp.sum(v) * (-1.0 / B)

    @pl.when(i == 0)
    def _():
        o_ref[...] = jnp.zeros_like(o_ref)

    o_ref[...] = o_ref[...] + jnp.reshape(part, (1, 1))


def kernel(center, outside, negative, emb_center, emb_outside):
    cidx = jnp.reshape(center, (B,))
    merged = jnp.concatenate([jnp.reshape(outside, (B, 1)), negative], axis=1)
    widx = jnp.pad(
        jnp.reshape(merged, (B // C, C * W)),
        ((0, 0), (0, C * (SW - W)))).reshape(B // C, SW, C)
    scores = _sc_scores(cidx, widx, emb_center, emb_outside)
    scores2d = jnp.reshape(scores, (_TC_ROWS, C))
    loss = pl.pallas_call(
        _tc_loss_body,
        grid=(_TC_ROWS // _TC_BLK,),
        in_specs=[pl.BlockSpec((_TC_BLK, C), lambda i: (i, 0))],
        out_specs=pl.BlockSpec((1, 1), lambda i: (0, 0)),
        out_shape=jax.ShapeDtypeStruct((1, 1), jnp.float32),
    )(scores2d)
    return loss[0, 0]

# --- scband reference (transcript-rebuilt; emitter-appended) ---
"""Pipeline reference for scband-skipgram-neg-16458314678906 (READ-ONLY COPY).

The authoritative reference and input builder live on the scoring server;
editing this copy changes nothing except your own understanding.
"""

import jax, jax.numpy as jnp
import numpy as np

VOC_SIZE = 1000000
EMB_SIZE = 32
BATCH = 16384
NUM_NEG = 20

def setup_inputs(seed: int = 0) -> dict:
    key = jax.random.key(seed)
    k1, k2, k3, k4, k5 = jax.random.split(key, 5)
    center = jax.random.randint(k1, (BATCH, 1), 0, VOC_SIZE, dtype=jnp.int64 if jax.config.jax_enable_x64 else jnp.int32).astype(jnp.int32)
    outside = jax.random.randint(k2, (BATCH, 1), 0, VOC_SIZE).astype(jnp.int32)
    negative = jax.random.randint(k3, (BATCH, NUM_NEG), 0, VOC_SIZE).astype(jnp.int32)
    emb_center = jax.random.normal(k4, (VOC_SIZE, EMB_SIZE), dtype=jnp.float32)
    emb_outside = jax.random.normal(k5, (VOC_SIZE, EMB_SIZE), dtype=jnp.float32)
    return {"center": center, "outside": outside, "negative": negative,
            "emb_center": emb_center, "emb_outside": emb_outside}

def reference(center, outside, negative, emb_center, emb_outside):
    # center_embed = embedding_center(center): [B, 1, E]
    center_embed = jnp.take(emb_center, center, axis=0)
    # outside_embed = embedding_outside(outside): [B, 1, E]
    outside_embed = jnp.take(emb_outside, outside, axis=0)
    # neg_embed = embedding_outside(negative): [B, K, E]
    neg_embed = jnp.take(emb_outside, negative, axis=0)
    # pos_score = logsigmoid(sum(outside_embed * center_embed, dim=2)).squeeze() -> [B]
    pos_score = jnp.squeeze(jax.nn.log_sigmoid(jnp.sum(outside_embed * center_embed, axis=2)))
    # bmm(neg_embed [B,K,E], center_embed^T [B,E,1]) -> [B,K,1]; squeeze -> [B,K]
    bmm = jnp.einsum('bke,ble->bkl', neg_embed, center_embed)
    neg_score = jax.nn.log_sigmoid(-jnp.squeeze(bmm))
    neg_score = jnp.sum(neg_score, axis=1)  # [B]
    loss = -jnp.mean(pos_score + neg_score)
    return loss

if __name__ == "__main__":
    import jax
    _d = setup_inputs()
    print(jax.jit(kernel)(*tuple(_d.values())))

</pallas_src>

<mosaic_0001>
#map = affine_map<(d0, d1) -> (0)>
#map1 = affine_map<(d0, d1) -> (0, 0, 0)>
#map2 = affine_map<(d0, d1) -> (0, 0)>
module attributes {stable_mosaic.version = 14 : i64} {
  func.func @_sc_scores(%arg0: i32, %arg1: i32, %arg2: memref<16384xi32, #tpu.memory_space<hbm>>, %arg3: memref<128x24x128xi32, #tpu.memory_space<hbm>>, %arg4: memref<1000000x32xf32, #tpu.memory_space<hbm>>, %arg5: memref<1000000x32xf32, #tpu.memory_space<hbm>>, %arg6: memref<128x24x128xf32, #tpu.memory_space<hbm>>, %arg7: memref<128xi32, #tpu.memory_space<vmem>>, %arg8: memref<24x128xi32, #tpu.memory_space<vmem>>, %arg9: memref<128x32xf32, #tpu.memory_space<vmem>>, %arg10: memref<2688x32xf32, #tpu.memory_space<vmem>>, %arg11: memref<24x128xf32, #tpu.memory_space<vmem>>, %arg12: memref<!tpu.dma_semaphore, #tpu.memory_space<semaphore_mem>>) attributes {dimension_semantics = [#tpu.dimension_semantics<core_parallel>, #tpu.dimension_semantics<subcore_parallel>], iteration_bounds = array<i64: 2, 16>, scalar_prefetch = 0 : i64, scratch_operands = 6 : i64, tpu.core_type = #tpu.core_type<sc_vector_subcore>, window_params = [{transform_indices = #map}, {transform_indices = #map1}, {transform_indices = #map2}, {transform_indices = #map2}, {transform_indices = #map1}]} {
    %mul3A = arith.constant 2 : i32
    %mul3A_0 = arith.muli %arg1, %mul3A : i32
    %add3A = arith.addi %mul3A_0, %arg0 : i32
    %iota3A = tpu.iota {dimensions = array<i32: 0>} : vector<16xi32>
    %scan3A = arith.constant 0 : i32
    %scan3A_1 = arith.constant 0 : i32
    %scan3A_2 = arith.constant 4 : i32
    %scan3A_3 = arith.addi %scan3A_1, %scan3A_2 : i32
    %scan3A_4 = arith.constant 1 : i32
    %scan3A_5 = scf.for %scan3A_7 = %scan3A_1 to %scan3A_3 step %scan3A_4 iter_args(%scan3A_8 = %scan3A) -> (i32)  : i32 {
      %mul3A_9 = arith.constant 4 : i32
      %mul3A_10 = arith.muli %add3A, %mul3A_9 : i32
      %add3A_11 = arith.addi %mul3A_10, %scan3A_7 : i32
      %mul3A_12 = arith.constant 128 : i32
      %mul3A_13 = arith.muli %add3A_11, %mul3A_12 : i32
      "tpu.region"() ({
        %run_scoped3A = tpu.sem_alloc : memref<!tpu.dma_semaphore, #tpu.memory_space<semaphore_mem>>
        %dma_start3A_446 = tpu.memref_slice %arg2[%mul3A_13] : memref<16384xi32, #tpu.memory_space<hbm>> -> memref<128xi32, #tpu.memory_space<hbm>>
        %dma_start3A_447 = tpu.memref_slice %arg2[%mul3A_13] : memref<16384xi32, #tpu.memory_space<hbm>> -> memref<128xi32, #tpu.memory_space<hbm>>
        tpu.enqueue_dma source(%dma_start3A_447 : memref<128xi32, #tpu.memory_space<hbm>>) target(%arg7 : memref<128xi32, #tpu.memory_space<vmem>>) target_semaphore(%run_scoped3A : memref<!tpu.dma_semaphore, #tpu.memory_space<semaphore_mem>>)
        %dma_wait3A_448 = tpu.memref_slice %arg2[%mul3A_13] : memref<16384xi32, #tpu.memory_space<hbm>> -> memref<128xi32, #tpu.memory_space<hbm>>
        %dma_wait3A_449 = tpu.memref_slice %arg2[%mul3A_13] : memref<16384xi32, #tpu.memory_space<hbm>> -> memref<128xi32, #tpu.memory_space<hbm>>
        tpu.wait_dma2 semaphore(%run_scoped3A : memref<!tpu.dma_semaphore, #tpu.memory_space<semaphore_mem>>) src(%dma_wait3A_449 : memref<128xi32, #tpu.memory_space<hbm>>) dst(%arg7 : memref<128xi32, #tpu.memory_space<vmem>>)
        tpu.yield
      }) : () -> ()
      "tpu.region"() ({
        %run_scoped3A = tpu.sem_alloc : memref<!tpu.dma_semaphore, #tpu.memory_space<semaphore_mem>>
        %dma_start3A_446 = arith.constant 0 : i32
        %dma_start3A_447 = arith.constant 0 : i32
        %dma_start3A_448 = tpu.memref_slice %arg3[%add3A_11, %dma_start3A_446, %dma_start3A_447] : memref<128x24x128xi32, #tpu.memory_space<hbm>> -> memref<1x24x128xi32, #tpu.memory_space<hbm>>
        %dma_start3A_449 = tpu.memref_squeeze %dma_start3A_448 : memref<1x24x128xi32, #tpu.memory_space<hbm>> -> memref<24x128xi32, #tpu.memory_space<hbm>>
        %dma_start3A_450 = arith.constant 0 : i32
        %dma_start3A_451 = arith.constant 0 : i32
        %dma_start3A_452 = tpu.memref_slice %arg3[%add3A_11, %dma_start3A_450, %dma_start3A_451] : memref<128x24x128xi32, #tpu.memory_space<hbm>> -> memref<1x24x128xi32, #tpu.memory_space<hbm>>
        %dma_start3A_453 = tpu.memref_squeeze %dma_start3A_452 : memref<1x24x128xi32, #tpu.memory_space<hbm>> -> memref<24x128xi32, #tpu.memory_space<hbm>>
        tpu.enqueue_dma source(%dma_start3A_453 : memref<24x128xi32, #tpu.memory_space<hbm>>) target(%arg8 : memref<24x128xi32, #tpu.memory_space<vmem>>) target_semaphore(%run_scoped3A : memref<!tpu.dma_semaphore, #tpu.memory_space<semaphore_mem>>)
        %dma_wait3A_454 = arith.constant 0 : i32
        %dma_wait3A_455 = arith.constant 0 : i32
        %dma_wait3A_456 = tpu.memref_slice %arg3[%add3A_11, %dma_wait3A_454, %dma_wait3A_455] : memref<128x24x128xi32, #tpu.memory_space<hbm>> -> memref<1x24x128xi32, #tpu.memory_space<hbm>>
        %dma_wait3A_457 = tpu.memref_squeeze %dma_wait3A_456 : memref<1x24x128xi32, #tpu.memory_space<hbm>> -> memref<24x128xi32, #tpu.memory_space<hbm>>
        %dma_wait3A_458 = arith.constant 0 : i32
        %dma_wait3A_459 = arith.constant 0 : i32
        %dma_wait3A_460 = tpu.memref_slice %arg3[%add3A_11, %dma_wait3A_458, %dma_wait3A_459] : memref<128x24x128xi32, #tpu.memory_space<hbm>> -> memref<1x24x128xi32, #tpu.memory_space<hbm>>
        %dma_wait3A_461 = tpu.memref_squeeze %dma_wait3A_460 : memref<1x24x128xi32, #tpu.memory_space<hbm>> -> memref<24x128xi32, #tpu.memory_space<hbm>>
        tpu.wait_dma2 semaphore(%run_scoped3A : memref<!tpu.dma_semaphore, #tpu.memory_space<semaphore_mem>>) src(%dma_wait3A_461 : memref<24x128xi32, #tpu.memory_space<hbm>>) dst(%arg8 : memref<24x128xi32, #tpu.memory_space<vmem>>)
        tpu.yield
      }) : () -> ()
      %dma_start3A = arith.constant 0 : i32
      %dma_start3A_14 = arith.constant 0 : i32
      %dma_start3A_15 = tpu.memref_slice %arg4[%dma_start3A, %dma_start3A_14] : memref<1000000x32xf32, #tpu.memory_space<hbm>> -> memref<1000000x32xf32, #tpu.memory_space<hbm>>
      tpu.enqueue_indirect_dma source(%dma_start3A_15 : memref<1000000x32xf32, #tpu.memory_space<hbm>>) target(%arg9 : memref<128x32xf32, #tpu.memory_space<vmem>>) offsets(%arg7 : memref<128xi32, #tpu.memory_space<vmem>>) semaphore(%arg12 : memref<!tpu.dma_semaphore, #tpu.memory_space<semaphore_mem>>)
      %dma_start3A_16 = arith.constant 0 : i32
      %dma_start3A_17 = arith.constant 0 : i32
      %dma_start3A_18 = arith.constant 0 : i32
      %dma_start3A_19 = tpu.memref_slice %arg10[%dma_start3A_17, %dma_start3A_18] : memref<2688x32xf32, #tpu.memory_space<vmem>> -> memref<128x32xf32, #tpu.memory_space<vmem>>
      %dma_start3A_20 = arith.constant 0 : i32
      %dma_start3A_21 = tpu.memref_slice %arg8[%dma_start3A_16, %dma_start3A_20] : memref<24x128xi32, #tpu.memory_space<vmem>> -> memref<1x128xi32, #tpu.memory_space<vmem>>
      %dma_start3A_22 = tpu.memref_squeeze %dma_start3A_21 : memref<1x128xi32, #tpu.memory_space<vmem>> -> memref<128xi32, #tpu.memory_space<vmem>>
      %dma_start3A_23 = arith.constant 0 : i32
      %dma_start3A_24 = arith.constant 0 : i32
      %dma_start3A_25 = tpu.memref_slice %arg5[%dma_start3A_23, %dma_start3A_24] : memref<1000000x32xf32, #tpu.memory_space<hbm>> -> memref<1000000x32xf32, #tpu.memory_space<hbm>>
      tpu.enqueue_indirect_dma source(%dma_start3A_25 : memref<1000000x32xf32, #tpu.memory_space<hbm>>) target(%dma_start3A_19 : memref<128x32xf32, #tpu.memory_space<vmem>>) offsets(%dma_start3A_22 : memref<128xi32, #tpu.memory_space<vmem>>) semaphore(%arg12 : memref<!tpu.dma_semaphore, #tpu.memory_space<semaphore_mem>>)
      %dma_start3A_26 = arith.constant 1 : i32
      %dma_start3A_27 = arith.constant 128 : i32
      %dma_start3A_28 = arith.constant 0 : i32
      %dma_start3A_29 = tpu.memref_slice %arg10[%dma_start3A_27, %dma_start3A_28] : memref<2688x32xf32, #tpu.memory_space<vmem>> -> memref<128x32xf32, #tpu.memory_space<vmem>>
      %dma_start3A_30 = arith.constant 0 : i32
      %dma_start3A_31 = tpu.memref_slice %arg8[%dma_start3A_26, %dma_start3A_30] : memref<24x128xi32, #tpu.memory_space<vmem>> -> memref<1x128xi32, #tpu.memory_space<vmem>>
      %dma_start3A_32 = tpu.memref_squeeze %dma_start3A_31 : memref<1x128xi32, #tpu.memory_space<vmem>> -> memref<128xi32, #tpu.memory_space<vmem>>
      %dma_start3A_33 = arith.constant 0 : i32
      %dma_start3A_34 = arith.constant 0 : i32
      %dma_start3A_35 = tpu.memref_slice %arg5[%dma_start3A_33, %dma_start3A_34] : memref<1000000x32xf32, #tpu.memory_space<hbm>> -> memref<1000000x32xf32, #tpu.memory_space<hbm>>
      tpu.enqueue_indirect_dma source(%dma_start3A_35 : memref<1000000x32xf32, #tpu.memory_space<hbm>>) target(%dma_start3A_29 : memref<128x32xf32, #tpu.memory_space<vmem>>) offsets(%dma_start3A_32 : memref<128xi32, #tpu.memory_space<vmem>>) semaphore(%arg12 : memref<!tpu.dma_semaphore, #tpu.memory_space<semaphore_mem>>)
      %dma_start3A_36 = arith.constant 2 : i32
      %dma_start3A_37 = arith.constant 256 : i32
      %dma_start3A_38 = arith.constant 0 : i32
      %dma_start3A_39 = tpu.memref_slice %arg10[%dma_start3A_37, %dma_start3A_38] : memref<2688x32xf32, #tpu.memory_space<vmem>> -> memref<128x32xf32, #tpu.memory_space<vmem>>
      %dma_start3A_40 = arith.constant 0 : i32
      %dma_start3A_41 = tpu.memref_slice %arg8[%dma_start3A_36, %dma_start3A_40] : memref<24x128xi32, #tpu.memory_space<vmem>> -> memref<1x128xi32, #tpu.memory_space<vmem>>
      %dma_start3A_42 = tpu.memref_squeeze %dma_start3A_41 : memref<1x128xi32, #tpu.memory_space<vmem>> -> memref<128xi32, #tpu.memory_space<vmem>>
      %dma_start3A_43 = arith.constant 0 : i32
      %dma_start3A_44 = arith.constant 0 : i32
      %dma_start3A_45 = tpu.memref_slice %arg5[%dma_start3A_43, %dma_start3A_44] : memref<1000000x32xf32, #tpu.memory_space<hbm>> -> memref<1000000x32xf32, #tpu.memory_space<hbm>>
      tpu.enqueue_indirect_dma source(%dma_start3A_45 : memref<1000000x32xf32, #tpu.memory_space<hbm>>) target(%dma_start3A_39 : memref<128x32xf32, #tpu.memory_space<vmem>>) offsets(%dma_start3A_42 : memref<128xi32, #tpu.memory_space<vmem>>) semaphore(%arg12 : memref<!tpu.dma_semaphore, #tpu.memory_space<semaphore_mem>>)
      %dma_start3A_46 = arith.constant 3 : i32
      %dma_start3A_47 = arith.constant 384 : i32
      %dma_start3A_48 = arith.constant 0 : i32
      %dma_start3A_49 = tpu.memref_slice %arg10[%dma_start3A_47, %dma_start3A_48] : memref<2688x32xf32, #tpu.memory_space<vmem>> -> memref<128x32xf32, #tpu.memory_space<vmem>>
      %dma_start3A_50 = arith.constant 0 : i32
      %dma_start3A_51 = tpu.memref_slice %arg8[%dma_start3A_46, %dma_start3A_50] : memref<24x128xi32, #tpu.memory_space<vmem>> -> memref<1x128xi32, #tpu.memory_space<vmem>>
      %dma_start3A_52 = tpu.memref_squeeze %dma_start3A_51 : memref<1x128xi32, #tpu.memory_space<vmem>> -> memref<128xi32, #tpu.memory_space<vmem>>
      %dma_start3A_53 = arith.constant 0 : i32
      %dma_start3A_54 = arith.constant 0 : i32
      %dma_start3A_55 = tpu.memref_slice %arg5[%dma_start3A_53, %dma_start3A_54] : memref<1000000x32xf32, #tpu.memory_space<hbm>> -> memref<1000000x32xf32, #tpu.memory_space<hbm>>
      tpu.enqueue_indirect_dma source(%dma_start3A_55 : memref<1000000x32xf32, #tpu.memory_space<hbm>>) target(%dma_start3A_49 : memref<128x32xf32, #tpu.memory_space<vmem>>) offsets(%dma_start3A_52 : memref<128xi32, #tpu.memory_space<vmem>>) semaphore(%arg12 : memref<!tpu.dma_semaphore, #tpu.memory_space<semaphore_mem>>)
      %dma_start3A_56 = arith.constant 4 : i32
      %dma_start3A_57 = arith.constant 512 : i32
      %dma_start3A_58 = arith.constant 0 : i32
      %dma_start3A_59 = tpu.memref_slice %arg10[%dma_start3A_57, %dma_start3A_58] : memref<2688x32xf32, #tpu.memory_space<vmem>> -> memref<128x32xf32, #tpu.memory_space<vmem>>
      %dma_start3A_60 = arith.constant 0 : i32
      %dma_start3A_61 = tpu.memref_slice %arg8[%dma_start3A_56, %dma_start3A_60] : memref<24x128xi32, #tpu.memory_space<vmem>> -> memref<1x128xi32, #tpu.memory_space<vmem>>
      %dma_start3A_62 = tpu.memref_squeeze %dma_start3A_61 : memref<1x128xi32, #tpu.memory_space<vmem>> -> memref<128xi32, #tpu.memory_space<vmem>>
      %dma_start3A_63 = arith.constant 0 : i32
      %dma_start3A_64 = arith.constant 0 : i32
      %dma_start3A_65 = tpu.memref_slice %arg5[%dma_start3A_63, %dma_start3A_64] : memref<1000000x32xf32, #tpu.memory_space<hbm>> -> memref<1000000x32xf32, #tpu.memory_space<hbm>>
      tpu.enqueue_indirect_dma source(%dma_start3A_65 : memref<1000000x32xf32, #tpu.memory_space<hbm>>) target(%dma_start3A_59 : memref<128x32xf32, #tpu.memory_space<vmem>>) offsets(%dma_start3A_62 : memref<128xi32, #tpu.memory_space<vmem>>) semaphore(%arg12 : memref<!tpu.dma_semaphore, #tpu.memory_space<semaphore_mem>>)
      %dma_start3A_66 = arith.constant 5 : i32
      %dma_start3A_67 = arith.constant 640 : i32
      %dma_start3A_68 = arith.constant 0 : i32
      %dma_start3A_69 = tpu.memref_slice %arg10[%dma_start3A_67, %dma_start3A_68] : memref<2688x32xf32, #tpu.memory_space<vmem>> -> memref<128x32xf32, #tpu.memory_space<vmem>>
      %dma_start3A_70 = arith.constant 0 : i32
      %dma_start3A_71 = tpu.memref_slice %arg8[%dma_start3A_66, %dma_start3A_70] : memref<24x128xi32, #tpu.memory_space<vmem>> -> memref<1x128xi32, #tpu.memory_space<vmem>>
      %dma_start3A_72 = tpu.memref_squeeze %dma_start3A_71 : memref<1x128xi32, #tpu.memory_space<vmem>> -> memref<128xi32, #tpu.memory_space<vmem>>
      %dma_start3A_73 = arith.constant 0 : i32
      %dma_start3A_74 = arith.constant 0 : i32
      %dma_start3A_75 = tpu.memref_slice %arg5[%dma_start3A_73, %dma_start3A_74] : memref<1000000x32xf32, #tpu.memory_space<hbm>> -> memref<1000000x32xf32, #tpu.memory_space<hbm>>
      tpu.enqueue_indirect_dma source(%dma_start3A_75 : memref<1000000x32xf32, #tpu.memory_space<hbm>>) target(%dma_start3A_69 : memref<128x32xf32, #tpu.memory_space<vmem>>) offsets(%dma_start3A_72 : memref<128xi32, #tpu.memory_space<vmem>>) semaphore(%arg12 : memref<!tpu.dma_semaphore, #tpu.memory_space<semaphore_mem>>)
      %dma_start3A_76 = arith.constant 6 : i32
      %dma_start3A_77 = arith.constant 768 : i32
      %dma_start3A_78 = arith.constant 0 : i32
      %dma_start3A_79 = tpu.memref_slice %arg10[%dma_start3A_77, %dma_start3A_78] : memref<2688x32xf32, #tpu.memory_space<vmem>> -> memref<128x32xf32, #tpu.memory_space<vmem>>
      %dma_start3A_80 = arith.constant 0 : i32
      %dma_start3A_81 = tpu.memref_slice %arg8[%dma_start3A_76, %dma_start3A_80] : memref<24x128xi32, #tpu.memory_space<vmem>> -> memref<1x128xi32, #tpu.memory_space<vmem>>
      %dma_start3A_82 = tpu.memref_squeeze %dma_start3A_81 : memref<1x128xi32, #tpu.memory_space<vmem>> -> memref<128xi32, #tpu.memory_space<vmem>>
      %dma_start3A_83 = arith.constant 0 : i32
      %dma_start3A_84 = arith.constant 0 : i32
      %dma_start3A_85 = tpu.memref_slice %arg5[%dma_start3A_83, %dma_start3A_84] : memref<1000000x32xf32, #tpu.memory_space<hbm>> -> memref<1000000x32xf32, #tpu.memory_space<hbm>>
      tpu.enqueue_indirect_dma source(%dma_start3A_85 : memref<1000000x32xf32, #tpu.memory_space<hbm>>) target(%dma_start3A_79 : memref<128x32xf32, #tpu.memory_space<vmem>>) offsets(%dma_start3A_82 : memref<128xi32, #tpu.memory_space<vmem>>) semaphore(%arg12 : memref<!tpu.dma_semaphore, #tpu.memory_space<semaphore_mem>>)
      %dma_start3A_86 = arith.constant 7 : i32
      %dma_start3A_87 = arith.constant 896 : i32
      %dma_start3A_88 = arith.constant 0 : i32
      %dma_start3A_89 = tpu.memref_slice %arg10[%dma_start3A_87, %dma_start3A_88] : memref<2688x32xf32, #tpu.memory_space<vmem>> -> memref<128x32xf32, #tpu.memory_space<vmem>>
      %dma_start3A_90 = arith.constant 0 : i32
      %dma_start3A_91 = tpu.memref_slice %arg8[%dma_start3A_86, %dma_start3A_90] : memref<24x128xi32, #tpu.memory_space<vmem>> -> memref<1x128xi32, #tpu.memory_space<vmem>>
      %dma_start3A_92 = tpu.memref_squeeze %dma_start3A_91 : memref<1x128xi32, #tpu.memory_space<vmem>> -> memref<128xi32, #tpu.memory_space<vmem>>
      %dma_start3A_93 = arith.constant 0 : i32
      %dma_start3A_94 = arith.constant 0 : i32
      %dma_start3A_95 = tpu.memref_slice %arg5[%dma_start3A_93, %dma_start3A_94] : memref<1000000x32xf32, #tpu.memory_space<hbm>> -> memref<1000000x32xf32, #tpu.memory_space<hbm>>
      tpu.enqueue_indirect_dma source(%dma_start3A_95 : memref<1000000x32xf32, #tpu.memory_space<hbm>>) target(%dma_start3A_89 : memref<128x32xf32, #tpu.memory_space<vmem>>) offsets(%dma_start3A_92 : memref<128xi32, #tpu.memory_space<vmem>>) semaphore(%arg12 : memref<!tpu.dma_semaphore, #tpu.memory_space<semaphore_mem>>)
      %dma_start3A_96 = arith.constant 8 : i32
      %dma_start3A_97 = arith.constant 1024 : i32
      %dma_start3A_98 = arith.constant 0 : i32
      %dma_start3A_99 = tpu.memref_slice %arg10[%dma_start3A_97, %dma_start3A_98] : memref<2688x32xf32, #tpu.memory_space<vmem>> -> memref<128x32xf32, #tpu.memory_space<vmem>>
      %dma_start3A_100 = arith.constant 0 : i32
      %dma_start3A_101 = tpu.memref_slice %arg8[%dma_start3A_96, %dma_start3A_100] : memref<24x128xi32, #tpu.memory_space<vmem>> -> memref<1x128xi32, #tpu.memory_space<vmem>>
      %dma_start3A_102 = tpu.memref_squeeze %dma_start3A_101 : memref<1x128xi32, #tpu.memory_space<vmem>> -> memref<128xi32, #tpu.memory_space<vmem>>
      %dma_start3A_103 = arith.constant 0 : i32
      %dma_start3A_104 = arith.constant 0 : i32
      %dma_start3A_105 = tpu.memref_slice %arg5[%dma_start3A_103, %dma_start3A_104] : memref<1000000x32xf32, #tpu.memory_space<hbm>> -> memref<1000000x32xf32, #tpu.memory_space<hbm>>
      tpu.enqueue_indirect_dma source(%dma_start3A_105 : memref<1000000x32xf32, #tpu.memory_space<hbm>>) target(%dma_start3A_99 : memref<128x32xf32, #tpu.memory_space<vmem>>) offsets(%dma_start3A_102 : memref<128xi32, #tpu.memory_space<vmem>>) semaphore(%arg12 : memref<!tpu.dma_semaphore, #tpu.memory_space<semaphore_mem>>)
      %dma_start3A_106 = arith.constant 9 : i32
      %dma_start3A_107 = arith.constant 1152 : i32
      %dma_start3A_108 = arith.constant 0 : i32
      %dma_start3A_109 = tpu.memref_slice %arg10[%dma_start3A_107, %dma_start3A_108] : memref<2688x32xf32, #tpu.memory_space<vmem>> -> memref<128x32xf32, #tpu.memory_space<vmem>>
      %dma_start3A_110 = arith.constant 0 : i32
      %dma_start3A_111 = tpu.memref_slice %arg8[%dma_start3A_106, %dma_start3A_110] : memref<24x128xi32, #tpu.memory_space<vmem>> -> memref<1x128xi32, #tpu.memory_space<vmem>>
      %dma_start3A_112 = tpu.memref_squeeze %dma_start3A_111 : memref<1x128xi32, #tpu.memory_space<vmem>> -> memref<128xi32, #tpu.memory_space<vmem>>
      %dma_start3A_113 = arith.constant 0 : i32
      %dma_start3A_114 = arith.constant 0 : i32
      %dma_start3A_115 = tpu.memref_slice %arg5[%dma_start3A_113, %dma_start3A_114] : memref<1000000x32xf32, #tpu.memory_space<hbm>> -> memref<1000000x32xf32, #tpu.memory_space<hbm>>
      tpu.enqueue_indirect_dma source(%dma_start3A_115 : memref<1000000x32xf32, #tpu.memory_space<hbm>>) target(%dma_start3A_109 : memref<128x32xf32, #tpu.memory_space<vmem>>) offsets(%dma_start3A_112 : memref<128xi32, #tpu.memory_space<vmem>>) semaphore(%arg12 : memref<!tpu.dma_semaphore, #tpu.memory_space<semaphore_mem>>)
      %dma_start3A_116 = arith.constant 10 : i32
      %dma_start3A_117 = arith.constant 1280 : i32
      %dma_start3A_118 = arith.constant 0 : i32
      %dma_start3A_119 = tpu.memref_slice %arg10[%dma_start3A_117, %dma_start3A_118] : memref<2688x32xf32, #tpu.memory_space<vmem>> -> memref<128x32xf32, #tpu.memory_space<vmem>>
      %dma_start3A_120 = arith.constant 0 : i32
      %dma_start3A_121 = tpu.memref_slice %arg8[%dma_start3A_116, %dma_start3A_120] : memref<24x128xi32, #tpu.memory_space<vmem>> -> memref<1x128xi32, #tpu.memory_space<vmem>>
      %dma_start3A_122 = tpu.memref_squeeze %dma_start3A_121 : memref<1x128xi32, #tpu.memory_space<vmem>> -> memref<128xi32, #tpu.memory_space<vmem>>
      %dma_start3A_123 = arith.constant 0 : i32
      %dma_start3A_124 = arith.constant 0 : i32
      %dma_start3A_125 = tpu.memref_slice %arg5[%dma_start3A_123, %dma_start3A_124] : memref<1000000x32xf32, #tpu.memory_space<hbm>> -> memref<1000000x32xf32, #tpu.memory_space<hbm>>
      tpu.enqueue_indirect_dma source(%dma_start3A_125 : memref<1000000x32xf32, #tpu.memory_space<hbm>>) target(%dma_start3A_119 : memref<128x32xf32, #tpu.memory_space<vmem>>) offsets(%dma_start3A_122 : memref<128xi32, #tpu.memory_space<vmem>>) semaphore(%arg12 : memref<!tpu.dma_semaphore, #tpu.memory_space<semaphore_mem>>)
      %dma_start3A_126 = arith.constant 11 : i32
      %dma_start3A_127 = arith.constant 1408 : i32
      %dma_start3A_128 = arith.constant 0 : i32
      %dma_start3A_129 = tpu.memref_slice %arg10[%dma_start3A_127, %dma_start3A_128] : memref<2688x32xf32, #tpu.memory_space<vmem>> -> memref<128x32xf32, #tpu.memory_space<vmem>>
      %dma_start3A_130 = arith.constant 0 : i32
      %dma_start3A_131 = tpu.memref_slice %arg8[%dma_start3A_126, %dma_start3A_130] : memref<24x128xi32, #tpu.memory_space<vmem>> -> memref<1x128xi32, #tpu.memory_space<vmem>>
      %dma_start3A_132 = tpu.memref_squeeze %dma_start3A_131 : memref<1x128xi32, #tpu.memory_space<vmem>> -> memref<128xi32, #tpu.memory_space<vmem>>
      %dma_start3A_133 = arith.constant 0 : i32
      %dma_start3A_134 = arith.constant 0 : i32
      %dma_start3A_135 = tpu.memref_slice %arg5[%dma_start3A_133, %dma_start3A_134] : memref<1000000x32xf32, #tpu.memory_space<hbm>> -> memref<1000000x32xf32, #tpu.memory_space<hbm>>
      tpu.enqueue_indirect_dma source(%dma_start3A_135 : memref<1000000x32xf32, #tpu.memory_space<hbm>>) target(%dma_start3A_129 : memref<128x32xf32, #tpu.memory_space<vmem>>) offsets(%dma_start3A_132 : memref<128xi32, #tpu.memory_space<vmem>>) semaphore(%arg12 : memref<!tpu.dma_semaphore, #tpu.memory_space<semaphore_mem>>)
      %dma_start3A_136 = arith.constant 12 : i32
      %dma_start3A_137 = arith.constant 1536 : i32
      %dma_start3A_138 = arith.constant 0 : i32
      %dma_start3A_139 = tpu.memref_slice %arg10[%dma_start3A_137, %dma_start3A_138] : memref<2688x32xf32, #tpu.memory_space<vmem>> -> memref<128x32xf32, #tpu.memory_space<vmem>>
      %dma_start3A_140 = arith.constant 0 : i32
      %dma_start3A_141 = tpu.memref_slice %arg8[%dma_start3A_136, %dma_start3A_140] : memref<24x128xi32, #tpu.memory_space<vmem>> -> memref<1x128xi32, #tpu.memory_space<vmem>>
      %dma_start3A_142 = tpu.memref_squeeze %dma_start3A_141 : memref<1x128xi32, #tpu.memory_space<vmem>> -> memref<128xi32, #tpu.memory_space<vmem>>
      %dma_start3A_143 = arith.constant 0 : i32
      %dma_start3A_144 = arith.constant 0 : i32
      %dma_start3A_145 = tpu.memref_slice %arg5[%dma_start3A_143, %dma_start3A_144] : memref<1000000x32xf32, #tpu.memory_space<hbm>> -> memref<1000000x32xf32, #tpu.memory_space<hbm>>
      tpu.enqueue_indirect_dma source(%dma_start3A_145 : memref<1000000x32xf32, #tpu.memory_space<hbm>>) target(%dma_start3A_139 : memref<128x32xf32, #tpu.memory_space<vmem>>) offsets(%dma_start3A_142 : memref<128xi32, #tpu.memory_space<vmem>>) semaphore(%arg12 : memref<!tpu.dma_semaphore, #tpu.memory_space<semaphore_mem>>)
      %dma_start3A_146 = arith.constant 13 : i32
      %dma_start3A_147 = arith.constant 1664 : i32
      %dma_start3A_148 = arith.constant 0 : i32
      %dma_start3A_149 = tpu.memref_slice %arg10[%dma_start3A_147, %dma_start3A_148] : memref<2688x32xf32, #tpu.memory_space<vmem>> -> memref<128x32xf32, #tpu.memory_space<vmem>>
      %dma_start3A_150 = arith.constant 0 : i32
      %dma_start3A_151 = tpu.memref_slice %arg8[%dma_start3A_146, %dma_start3A_150] : memref<24x128xi32, #tpu.memory_space<vmem>> -> memref<1x128xi32, #tpu.memory_space<vmem>>
      %dma_start3A_152 = tpu.memref_squeeze %dma_start3A_151 : memref<1x128xi32, #tpu.memory_space<vmem>> -> memref<128xi32, #tpu.memory_space<vmem>>
      %dma_start3A_153 = arith.constant 0 : i32
      %dma_start3A_154 = arith.constant 0 : i32
      %dma_start3A_155 = tpu.memref_slice %arg5[%dma_start3A_153, %dma_start3A_154] : memref<1000000x32xf32, #tpu.memory_space<hbm>> -> memref<1000000x32xf32, #tpu.memory_space<hbm>>
      tpu.enqueue_indirect_dma source(%dma_start3A_155 : memref<1000000x32xf32, #tpu.memory_space<hbm>>) target(%dma_start3A_149 : memref<128x32xf32, #tpu.memory_space<vmem>>) offsets(%dma_start3A_152 : memref<128xi32, #tpu.memory_space<vmem>>) semaphore(%arg12 : memref<!tpu.dma_semaphore, #tpu.memory_space<semaphore_mem>>)
      %dma_start3A_156 = arith.constant 14 : i32
      %dma_start3A_157 = arith.constant 1792 : i32
      %dma_start3A_158 = arith.constant 0 : i32
      %dma_start3A_159 = tpu.memref_slice %arg10[%dma_start3A_157, %dma_start3A_158] : memref<2688x32xf32, #tpu.memory_space<vmem>> -> memref<128x32xf32, #tpu.memory_space<vmem>>
      %dma_start3A_160 = arith.constant 0 : i32
      %dma_start3A_161 = tpu.memref_slice %arg8[%dma_start3A_156, %dma_start3A_160] : memref<24x128xi32, #tpu.memory_space<vmem>> -> memref<1x128xi32, #tpu.memory_space<vmem>>
      %dma_start3A_162 = tpu.memref_squeeze %dma_start3A_161 : memref<1x128xi32, #tpu.memory_space<vmem>> -> memref<128xi32, #tpu.memory_space<vmem>>
      %dma_start3A_163 = arith.constant 0 : i32
      %dma_start3A_164 = arith.constant 0 : i32
      %dma_start3A_165 = tpu.memref_slice %arg5[%dma_start3A_163, %dma_start3A_164] : memref<1000000x32xf32, #tpu.memory_space<hbm>> -> memref<1000000x32xf32, #tpu.memory_space<hbm>>
      tpu.enqueue_indirect_dma source(%dma_start3A_165 : memref<1000000x32xf32, #tpu.memory_space<hbm>>) target(%dma_start3A_159 : memref<128x32xf32, #tpu.memory_space<vmem>>) offsets(%dma_start3A_162 : memref<128xi32, #tpu.memory_space<vmem>>) semaphore(%arg12 : memref<!tpu.dma_semaphore, #tpu.memory_space<semaphore_mem>>)
      %dma_start3A_166 = arith.constant 15 : i32
      %dma_start3A_167 = arith.constant 1920 : i32
      %dma_start3A_168 = arith.constant 0 : i32
      %dma_start3A_169 = tpu.memref_slice %arg10[%dma_start3A_167, %dma_start3A_168] : memref<2688x32xf32, #tpu.memory_space<vmem>> -> memref<128x32xf32, #tpu.memory_space<vmem>>
      %dma_start3A_170 = arith.constant 0 : i32
      %dma_start3A_171 = tpu.memref_slice %arg8[%dma_start3A_166, %dma_start3A_170] : memref<24x128xi32, #tpu.memory_space<vmem>> -> memref<1x128xi32, #tpu.memory_space<vmem>>
      %dma_start3A_172 = tpu.memref_squeeze %dma_start3A_171 : memref<1x128xi32, #tpu.memory_space<vmem>> -> memref<128xi32, #tpu.memory_space<vmem>>
      %dma_start3A_173 = arith.constant 0 : i32
      %dma_start3A_174 = arith.constant 0 : i32
      %dma_start3A_175 = tpu.memref_slice %arg5[%dma_start3A_173, %dma_start3A_174] : memref<1000000x32xf32, #tpu.memory_space<hbm>> -> memref<1000000x32xf32, #tpu.memory_space<hbm>>
      tpu.enqueue_indirect_dma source(%dma_start3A_175 : memref<1000000x32xf32, #tpu.memory_space<hbm>>) target(%dma_start3A_169 : memref<128x32xf32, #tpu.memory_space<vmem>>) offsets(%dma_start3A_172 : memref<128xi32, #tpu.memory_space<vmem>>) semaphore(%arg12 : memref<!tpu.dma_semaphore, #tpu.memory_space<semaphore_mem>>)
      %dma_start3A_176 = arith.constant 16 : i32
      %dma_start3A_177 = arith.constant 2048 : i32
      %dma_start3A_178 = arith.constant 0 : i32
      %dma_start3A_179 = tpu.memref_slice %arg10[%dma_start3A_177, %dma_start3A_178] : memref<2688x32xf32, #tpu.memory_space<vmem>> -> memref<128x32xf32, #tpu.memory_space<vmem>>
      %dma_start3A_180 = arith.constant 0 : i32
      %dma_start3A_181 = tpu.memref_slice %arg8[%dma_start3A_176, %dma_start3A_180] : memref<24x128xi32, #tpu.memory_space<vmem>> -> memref<1x128xi32, #tpu.memory_space<vmem>>
      %dma_start3A_182 = tpu.memref_squeeze %dma_start3A_181 : memref<1x128xi32, #tpu.memory_space<vmem>> -> memref<128xi32, #tpu.memory_space<vmem>>
      %dma_start3A_183 = arith.constant 0 : i32
      %dma_start3A_184 = arith.constant 0 : i32
      %dma_start3A_185 = tpu.memref_slice %arg5[%dma_start3A_183, %dma_start3A_184] : memref<1000000x32xf32, #tpu.memory_space<hbm>> -> memref<1000000x32xf32, #tpu.memory_space<hbm>>
      tpu.enqueue_indirect_dma source(%dma_start3A_185 : memref<1000000x32xf32, #tpu.memory_space<hbm>>) target(%dma_start3A_179 : memref<128x32xf32, #tpu.memory_space<vmem>>) offsets(%dma_start3A_182 : memref<128xi32, #tpu.memory_space<vmem>>) semaphore(%arg12 : memref<!tpu.dma_semaphore, #tpu.memory_space<semaphore_mem>>)
      %dma_start3A_186 = arith.constant 17 : i32
      %dma_start3A_187 = arith.constant 2176 : i32
      %dma_start3A_188 = arith.constant 0 : i32
      %dma_start3A_189 = tpu.memref_slice %arg10[%dma_start3A_187, %dma_start3A_188] : memref<2688x32xf32, #tpu.memory_space<vmem>> -> memref<128x32xf32, #tpu.memory_space<vmem>>
      %dma_start3A_190 = arith.constant 0 : i32
      %dma_start3A_191 = tpu.memref_slice %arg8[%dma_start3A_186, %dma_start3A_190] : memref<24x128xi32, #tpu.memory_space<vmem>> -> memref<1x128xi32, #tpu.memory_space<vmem>>
      %dma_start3A_192 = tpu.memref_squeeze %dma_start3A_191 : memref<1x128xi32, #tpu.memory_space<vmem>> -> memref<128xi32, #tpu.memory_space<vmem>>
      %dma_start3A_193 = arith.constant 0 : i32
      %dma_start3A_194 = arith.constant 0 : i32
      %dma_start3A_195 = tpu.memref_slice %arg5[%dma_start3A_193, %dma_start3A_194] : memref<1000000x32xf32, #tpu.memory_space<hbm>> -> memref<1000000x32xf32, #tpu.memory_space<hbm>>
      tpu.enqueue_indirect_dma source(%dma_start3A_195 : memref<1000000x32xf32, #tpu.memory_space<hbm>>) target(%dma_start3A_189 : memref<128x32xf32, #tpu.memory_space<vmem>>) offsets(%dma_start3A_192 : memref<128xi32, #tpu.memory_space<vmem>>) semaphore(%arg12 : memref<!tpu.dma_semaphore, #tpu.memory_space<semaphore_mem>>)
      %dma_start3A_196 = arith.constant 18 : i32
      %dma_start3A_197 = arith.constant 2304 : i32
      %dma_start3A_198 = arith.constant 0 : i32
      %dma_start3A_199 = tpu.memref_slice %arg10[%dma_start3A_197, %dma_start3A_198] : memref<2688x32xf32, #tpu.memory_space<vmem>> -> memref<128x32xf32, #tpu.memory_space<vmem>>
      %dma_start3A_200 = arith.constant 0 : i32
      %dma_start3A_201 = tpu.memref_slice %arg8[%dma_start3A_196, %dma_start3A_200] : memref<24x128xi32, #tpu.memory_space<vmem>> -> memref<1x128xi32, #tpu.memory_space<vmem>>
      %dma_start3A_202 = tpu.memref_squeeze %dma_start3A_201 : memref<1x128xi32, #tpu.memory_space<vmem>> -> memref<128xi32, #tpu.memory_space<vmem>>
      %dma_start3A_203 = arith.constant 0 : i32
      %dma_start3A_204 = arith.constant 0 : i32
      %dma_start3A_205 = tpu.memref_slice %arg5[%dma_start3A_203, %dma_start3A_204] : memref<1000000x32xf32, #tpu.memory_space<hbm>> -> memref<1000000x32xf32, #tpu.memory_space<hbm>>
      tpu.enqueue_indirect_dma source(%dma_start3A_205 : memref<1000000x32xf32, #tpu.memory_space<hbm>>) target(%dma_start3A_199 : memref<128x32xf32, #tpu.memory_space<vmem>>) offsets(%dma_start3A_202 : memref<128xi32, #tpu.memory_space<vmem>>) semaphore(%arg12 : memref<!tpu.dma_semaphore, #tpu.memory_space<semaphore_mem>>)
      %dma_start3A_206 = arith.constant 19 : i32
      %dma_start3A_207 = arith.constant 2432 : i32
      %dma_start3A_208 = arith.constant 0 : i32
      %dma_start3A_209 = tpu.memref_slice %arg10[%dma_start3A_207, %dma_start3A_208] : memref<2688x32xf32, #tpu.memory_space<vmem>> -> memref<128x32xf32, #tpu.memory_space<vmem>>
      %dma_start3A_210 = arith.constant 0 : i32
      %dma_start3A_211 = tpu.memref_slice %arg8[%dma_start3A_206, %dma_start3A_210] : memref<24x128xi32, #tpu.memory_space<vmem>> -> memref<1x128xi32, #tpu.memory_space<vmem>>
      %dma_start3A_212 = tpu.memref_squeeze %dma_start3A_211 : memref<1x128xi32, #tpu.memory_space<vmem>> -> memref<128xi32, #tpu.memory_space<vmem>>
      %dma_start3A_213 = arith.constant 0 : i32
      %dma_start3A_214 = arith.constant 0 : i32
      %dma_start3A_215 = tpu.memref_slice %arg5[%dma_start3A_213, %dma_start3A_214] : memref<1000000x32xf32, #tpu.memory_space<hbm>> -> memref<1000000x32xf32, #tpu.memory_space<hbm>>
      tpu.enqueue_indirect_dma source(%dma_start3A_215 : memref<1000000x32xf32, #tpu.memory_space<hbm>>) target(%dma_start3A_209 : memref<128x32xf32, #tpu.memory_space<vmem>>) offsets(%dma_start3A_212 : memref<128xi32, #tpu.memory_space<vmem>>) semaphore(%arg12 : memref<!tpu.dma_semaphore, #tpu.memory_space<semaphore_mem>>)
      %dma_start3A_216 = arith.constant 20 : i32
      %dma_start3A_217 = arith.constant 2560 : i32
      %dma_start3A_218 = arith.constant 0 : i32
      %dma_start3A_219 = tpu.memref_slice %arg10[%dma_start3A_217, %dma_start3A_218] : memref<2688x32xf32, #tpu.memory_space<vmem>> -> memref<128x32xf32, #tpu.memory_space<vmem>>
      %dma_start3A_220 = arith.constant 0 : i32
      %dma_start3A_221 = tpu.memref_slice %arg8[%dma_start3A_216, %dma_start3A_220] : memref<24x128xi32, #tpu.memory_space<vmem>> -> memref<1x128xi32, #tpu.memory_space<vmem>>
      %dma_start3A_222 = tpu.memref_squeeze %dma_start3A_221 : memref<1x128xi32, #tpu.memory_space<vmem>> -> memref<128xi32, #tpu.memory_space<vmem>>
      %dma_start3A_223 = arith.constant 0 : i32
      %dma_start3A_224 = arith.constant 0 : i32
      %dma_start3A_225 = tpu.memref_slice %arg5[%dma_start3A_223, %dma_start3A_224] : memref<1000000x32xf32, #tpu.memory_space<hbm>> -> memref<1000000x32xf32, #tpu.memory_space<hbm>>
      tpu.enqueue_indirect_dma source(%dma_start3A_225 : memref<1000000x32xf32, #tpu.memory_space<hbm>>) target(%dma_start3A_219 : memref<128x32xf32, #tpu.memory_space<vmem>>) offsets(%dma_start3A_222 : memref<128xi32, #tpu.memory_space<vmem>>) semaphore(%arg12 : memref<!tpu.dma_semaphore, #tpu.memory_space<semaphore_mem>>)
      %dma_wait3A = arith.constant 0 : i32
      %dma_wait3A_226 = arith.constant 0 : i32
      %dma_wait3A_227 = tpu.memref_slice %arg4[%dma_wait3A, %dma_wait3A_226] : memref<1000000x32xf32, #tpu.memory_space<hbm>> -> memref<1000000x32xf32, #tpu.memory_space<hbm>>
      tpu.wait_indirect_dma semaphore(%arg12 : memref<!tpu.dma_semaphore, #tpu.memory_space<semaphore_mem>>) src(%dma_wait3A_227 : memref<1000000x32xf32, #tpu.memory_space<hbm>>) dst(%arg9 : memref<128x32xf32, #tpu.memory_space<vmem>>)
      %dma_wait3A_228 = arith.constant 0 : i32
      %dma_wait3A_229 = arith.constant 0 : i32
      %dma_wait3A_230 = arith.constant 0 : i32
      %dma_wait3A_231 = tpu.memref_slice %arg10[%dma_wait3A_229, %dma_wait3A_230] : memref<2688x32xf32, #tpu.memory_space<vmem>> -> memref<128x32xf32, #tpu.memory_space<vmem>>
      %dma_wait3A_232 = arith.constant 0 : i32
      %dma_wait3A_233 = tpu.memref_slice %arg8[%dma_wait3A_228, %dma_wait3A_232] : memref<24x128xi32, #tpu.memory_space<vmem>> -> memref<1x128xi32, #tpu.memory_space<vmem>>
      %dma_wait3A_234 = tpu.memref_squeeze %dma_wait3A_233 : memref<1x128xi32, #tpu.memory_space<vmem>> -> memref<128xi32, #tpu.memory_space<vmem>>
      %dma_wait3A_235 = arith.constant 0 : i32
      %dma_wait3A_236 = arith.constant 0 : i32
      %dma_wait3A_237 = tpu.memref_slice %arg5[%dma_wait3A_235, %dma_wait3A_236] : memref<1000000x32xf32, #tpu.memory_space<hbm>> -> memref<1000000x32xf32, #tpu.memory_space<hbm>>
      tpu.wait_indirect_dma semaphore(%arg12 : memref<!tpu.dma_semaphore, #tpu.memory_space<semaphore_mem>>) src(%dma_wait3A_237 : memref<1000000x32xf32, #tpu.memory_space<hbm>>) dst(%dma_wait3A_231 : memref<128x32xf32, #tpu.memory_space<vmem>>)
      %dma_wait3A_238 = arith.constant 1 : i32
      %dma_wait3A_239 = arith.constant 128 : i32
      %dma_wait3A_240 = arith.constant 0 : i32
      %dma_wait3A_241 = tpu.memref_slice %arg10[%dma_wait3A_239, %dma_wait3A_240] : memref<2688x32xf32, #tpu.memory_space<vmem>> -> memref<128x32xf32, #tpu.memory_space<vmem>>
      %dma_wait3A_242 = arith.constant 0 : i32
      %dma_wait3A_243 = tpu.memref_slice %arg8[%dma_wait3A_238, %dma_wait3A_242] : memref<24x128xi32, #tpu.memory_space<vmem>> -> memref<1x128xi32, #tpu.memory_space<vmem>>
      %dma_wait3A_244 = tpu.memref_squeeze %dma_wait3A_243 : memref<1x128xi32, #tpu.memory_space<vmem>> -> memref<128xi32, #tpu.memory_space<vmem>>
      %dma_wait3A_245 = arith.constant 0 : i32
      %dma_wait3A_246 = arith.constant 0 : i32
      %dma_wait3A_247 = tpu.memref_slice %arg5[%dma_wait3A_245, %dma_wait3A_246] : memref<1000000x32xf32, #tpu.memory_space<hbm>> -> memref<1000000x32xf32, #tpu.memory_space<hbm>>
      tpu.wait_indirect_dma semaphore(%arg12 : memref<!tpu.dma_semaphore, #tpu.memory_space<semaphore_mem>>) src(%dma_wait3A_247 : memref<1000000x32xf32, #tpu.memory_space<hbm>>) dst(%dma_wait3A_241 : memref<128x32xf32, #tpu.memory_space<vmem>>)
      %dma_wait3A_248 = arith.constant 2 : i32
      %dma_wait3A_249 = arith.constant 256 : i32
      %dma_wait3A_250 = arith.constant 0 : i32
      %dma_wait3A_251 = tpu.memref_slice %arg10[%dma_wait3A_249, %dma_wait3A_250] : memref<2688x32xf32, #tpu.memory_space<vmem>> -> memref<128x32xf32, #tpu.memory_space<vmem>>
      %dma_wait3A_252 = arith.constant 0 : i32
      %dma_wait3A_253 = tpu.memref_slice %arg8[%dma_wait3A_248, %dma_wait3A_252] : memref<24x128xi32, #tpu.memory_space<vmem>> -> memref<1x128xi32, #tpu.memory_space<vmem>>
      %dma_wait3A_254 = tpu.memref_squeeze %dma_wait3A_253 : memref<1x128xi32, #tpu.memory_space<vmem>> -> memref<128xi32, #tpu.memory_space<vmem>>
      %dma_wait3A_255 = arith.constant 0 : i32
      %dma_wait3A_256 = arith.constant 0 : i32
      %dma_wait3A_257 = tpu.memref_slice %arg5[%dma_wait3A_255, %dma_wait3A_256] : memref<1000000x32xf32, #tpu.memory_space<hbm>> -> memref<1000000x32xf32, #tpu.memory_space<hbm>>
      tpu.wait_indirect_dma semaphore(%arg12 : memref<!tpu.dma_semaphore, #tpu.memory_space<semaphore_mem>>) src(%dma_wait3A_257 : memref<1000000x32xf32, #tpu.memory_space<hbm>>) dst(%dma_wait3A_251 : memref<128x32xf32, #tpu.memory_space<vmem>>)
      %dma_wait3A_258 = arith.constant 3 : i32
      %dma_wait3A_259 = arith.constant 384 : i32
      %dma_wait3A_260 = arith.constant 0 : i32
      %dma_wait3A_261 = tpu.memref_slice %arg10[%dma_wait3A_259, %dma_wait3A_260] : memref<2688x32xf32, #tpu.memory_space<vmem>> -> memref<128x32xf32, #tpu.memory_space<vmem>>
      %dma_wait3A_262 = arith.constant 0 : i32
      %dma_wait3A_263 = tpu.memref_slice %arg8[%dma_wait3A_258, %dma_wait3A_262] : memref<24x128xi32, #tpu.memory_space<vmem>> -> memref<1x128xi32, #tpu.memory_space<vmem>>
      %dma_wait3A_264 = tpu.memref_squeeze %dma_wait3A_263 : memref<1x128xi32, #tpu.memory_space<vmem>> -> memref<128xi32, #tpu.memory_space<vmem>>
      %dma_wait3A_265 = arith.constant 0 : i32
      %dma_wait3A_266 = arith.constant 0 : i32
      %dma_wait3A_267 = tpu.memref_slice %arg5[%dma_wait3A_265, %dma_wait3A_266] : memref<1000000x32xf32, #tpu.memory_space<hbm>> -> memref<1000000x32xf32, #tpu.memory_space<hbm>>
      tpu.wait_indirect_dma semaphore(%arg12 : memref<!tpu.dma_semaphore, #tpu.memory_space<semaphore_mem>>) src(%dma_wait3A_267 : memref<1000000x32xf32, #tpu.memory_space<hbm>>) dst(%dma_wait3A_261 : memref<128x32xf32, #tpu.memory_space<vmem>>)
      %dma_wait3A_268 = arith.constant 4 : i32
      %dma_wait3A_269 = arith.constant 512 : i32
      %dma_wait3A_270 = arith.constant 0 : i32
      %dma_wait3A_271 = tpu.memref_slice %arg10[%dma_wait3A_269, %dma_wait3A_270] : memref<2688x32xf32, #tpu.memory_space<vmem>> -> memref<128x32xf32, #tpu.memory_space<vmem>>
      %dma_wait3A_272 = arith.constant 0 : i32
      %dma_wait3A_273 = tpu.memref_slice %arg8[%dma_wait3A_268, %dma_wait3A_272] : memref<24x128xi32, #tpu.memory_space<vmem>> -> memref<1x128xi32, #tpu.memory_space<vmem>>
      %dma_wait3A_274 = tpu.memref_squeeze %dma_wait3A_273 : memref<1x128xi32, #tpu.memory_space<vmem>> -> memref<128xi32, #tpu.memory_space<vmem>>
      %dma_wait3A_275 = arith.constant 0 : i32
      %dma_wait3A_276 = arith.constant 0 : i32
      %dma_wait3A_277 = tpu.memref_slice %arg5[%dma_wait3A_275, %dma_wait3A_276] : memref<1000000x32xf32, #tpu.memory_space<hbm>> -> memref<1000000x32xf32, #tpu.memory_space<hbm>>
      tpu.wait_indirect_dma semaphore(%arg12 : memref<!tpu.dma_semaphore, #tpu.memory_space<semaphore_mem>>) src(%dma_wait3A_277 : memref<1000000x32xf32, #tpu.memory_space<hbm>>) dst(%dma_wait3A_271 : memref<128x32xf32, #tpu.memory_space<vmem>>)
      %dma_wait3A_278 = arith.constant 5 : i32
      %dma_wait3A_279 = arith.constant 640 : i32
      %dma_wait3A_280 = arith.constant 0 : i32
      %dma_wait3A_281 = tpu.memref_slice %arg10[%dma_wait3A_279, %dma_wait3A_280] : memref<2688x32xf32, #tpu.memory_space<vmem>> -> memref<128x32xf32, #tpu.memory_space<vmem>>
      %dma_wait3A_282 = arith.constant 0 : i32
      %dma_wait3A_283 = tpu.memref_slice %arg8[%dma_wait3A_278, %dma_wait3A_282] : memref<24x128xi32, #tpu.memory_space<vmem>> -> memref<1x128xi32, #tpu.memory_space<vmem>>
      %dma_wait3A_284 = tpu.memref_squeeze %dma_wait3A_283 : memref<1x128xi32, #tpu.memory_space<vmem>> -> memref<128xi32, #tpu.memory_space<vmem>>
      %dma_wait3A_285 = arith.constant 0 : i32
      %dma_wait3A_286 = arith.constant 0 : i32
      %dma_wait3A_287 = tpu.memref_slice %arg5[%dma_wait3A_285, %dma_wait3A_286] : memref<1000000x32xf32, #tpu.memory_space<hbm>> -> memref<1000000x32xf32, #tpu.memory_space<hbm>>
      tpu.wait_indirect_dma semaphore(%arg12 : memref<!tpu.dma_semaphore, #tpu.memory_space<semaphore_mem>>) src(%dma_wait3A_287 : memref<1000000x32xf32, #tpu.memory_space<hbm>>) dst(%dma_wait3A_281 : memref<128x32xf32, #tpu.memory_space<vmem>>)
      %dma_wait3A_288 = arith.constant 6 : i32
      %dma_wait3A_289 = arith.constant 768 : i32
      %dma_wait3A_290 = arith.constant 0 : i32
      %dma_wait3A_291 = tpu.memref_slice %arg10[%dma_wait3A_289, %dma_wait3A_290] : memref<2688x32xf32, #tpu.memory_space<vmem>> -> memref<128x32xf32, #tpu.memory_space<vmem>>
      %dma_wait3A_292 = arith.constant 0 : i32
      %dma_wait3A_293 = tpu.memref_slice %arg8[%dma_wait3A_288, %dma_wait3A_292] : memref<24x128xi32, #tpu.memory_space<vmem>> -> memref<1x128xi32, #tpu.memory_space<vmem>>
      %dma_wait3A_294 = tpu.memref_squeeze %dma_wait3A_293 : memref<1x128xi32, #tpu.memory_space<vmem>> -> memref<128xi32, #tpu.memory_space<vmem>>
      %dma_wait3A_295 = arith.constant 0 : i32
      %dma_wait3A_296 = arith.constant 0 : i32
      %dma_wait3A_297 = tpu.memref_slice %arg5[%dma_wait3A_295, %dma_wait3A_296] : memref<1000000x32xf32, #tpu.memory_space<hbm>> -> memref<1000000x32xf32, #tpu.memory_space<hbm>>
      tpu.wait_indirect_dma semaphore(%arg12 : memref<!tpu.dma_semaphore, #tpu.memory_space<semaphore_mem>>) src(%dma_wait3A_297 : memref<1000000x32xf32, #tpu.memory_space<hbm>>) dst(%dma_wait3A_291 : memref<128x32xf32, #tpu.memory_space<vmem>>)
      %dma_wait3A_298 = arith.constant 7 : i32
      %dma_wait3A_299 = arith.constant 896 : i32
      %dma_wait3A_300 = arith.constant 0 : i32
      %dma_wait3A_301 = tpu.memref_slice %arg10[%dma_wait3A_299, %dma_wait3A_300] : memref<2688x32xf32, #tpu.memory_space<vmem>> -> memref<128x32xf32, #tpu.memory_space<vmem>>
      %dma_wait3A_302 = arith.constant 0 : i32
      %dma_wait3A_303 = tpu.memref_slice %arg8[%dma_wait3A_298, %dma_wait3A_302] : memref<24x128xi32, #tpu.memory_space<vmem>> -> memref<1x128xi32, #tpu.memory_space<vmem>>
      %dma_wait3A_304 = tpu.memref_squeeze %dma_wait3A_303 : memref<1x128xi32, #tpu.memory_space<vmem>> -> memref<128xi32, #tpu.memory_space<vmem>>
      %dma_wait3A_305 = arith.constant 0 : i32
      %dma_wait3A_306 = arith.constant 0 : i32
      %dma_wait3A_307 = tpu.memref_slice %arg5[%dma_wait3A_305, %dma_wait3A_306] : memref<1000000x32xf32, #tpu.memory_space<hbm>> -> memref<1000000x32xf32, #tpu.memory_space<hbm>>
      tpu.wait_indirect_dma semaphore(%arg12 : memref<!tpu.dma_semaphore, #tpu.memory_space<semaphore_mem>>) src(%dma_wait3A_307 : memref<1000000x32xf32, #tpu.memory_space<hbm>>) dst(%dma_wait3A_301 : memref<128x32xf32, #tpu.memory_space<vmem>>)
      %dma_wait3A_308 = arith.constant 8 : i32
      %dma_wait3A_309 = arith.constant 1024 : i32
      %dma_wait3A_310 = arith.constant 0 : i32
      %dma_wait3A_311 = tpu.memref_slice %arg10[%dma_wait3A_309, %dma_wait3A_310] : memref<2688x32xf32, #tpu.memory_space<vmem>> -> memref<128x32xf32, #tpu.memory_space<vmem>>
      %dma_wait3A_312 = arith.constant 0 : i32
      %dma_wait3A_313 = tpu.memref_slice %arg8[%dma_wait3A_308, %dma_wait3A_312] : memref<24x128xi32, #tpu.memory_space<vmem>> -> memref<1x128xi32, #tpu.memory_space<vmem>>
      %dma_wait3A_314 = tpu.memref_squeeze %dma_wait3A_313 : memref<1x128xi32, #tpu.memory_space<vmem>> -> memref<128xi32, #tpu.memory_space<vmem>>
      %dma_wait3A_315 = arith.constant 0 : i32
      %dma_wait3A_316 = arith.constant 0 : i32
      %dma_wait3A_317 = tpu.memref_slice %arg5[%dma_wait3A_315, %dma_wait3A_316] : memref<1000000x32xf32, #tpu.memory_space<hbm>> -> memref<1000000x32xf32, #tpu.memory_space<hbm>>
      tpu.wait_indirect_dma semaphore(%arg12 : memref<!tpu.dma_semaphore, #tpu.memory_space<semaphore_mem>>) src(%dma_wait3A_317 : memref<1000000x32xf32, #tpu.memory_space<hbm>>) dst(%dma_wait3A_311 : memref<128x32xf32, #tpu.memory_space<vmem>>)
      %dma_wait3A_318 = arith.constant 9 : i32
      %dma_wait3A_319 = arith.constant 1152 : i32
      %dma_wait3A_320 = arith.constant 0 : i32
      %dma_wait3A_321 = tpu.memref_slice %arg10[%dma_wait3A_319, %dma_wait3A_320] : memref<2688x32xf32, #tpu.memory_space<vmem>> -> memref<128x32xf32, #tpu.memory_space<vmem>>
      %dma_wait3A_322 = arith.constant 0 : i32
      %dma_wait3A_323 = tpu.memref_slice %arg8[%dma_wait3A_318, %dma_wait3A_322] : memref<24x128xi32, #tpu.memory_space<vmem>> -> memref<1x128xi32, #tpu.memory_space<vmem>>
      %dma_wait3A_324 = tpu.memref_squeeze %dma_wait3A_323 : memref<1x128xi32, #tpu.memory_space<vmem>> -> memref<128xi32, #tpu.memory_space<vmem>>
      %dma_wait3A_325 = arith.constant 0 : i32
      %dma_wait3A_326 = arith.constant 0 : i32
      %dma_wait3A_327 = tpu.memref_slice %arg5[%dma_wait3A_325, %dma_wait3A_326] : memref<1000000x32xf32, #tpu.memory_space<hbm>> -> memref<1000000x32xf32, #tpu.memory_space<hbm>>
      tpu.wait_indirect_dma semaphore(%arg12 : memref<!tpu.dma_semaphore, #tpu.memory_space<semaphore_mem>>) src(%dma_wait3A_327 : memref<1000000x32xf32, #tpu.memory_space<hbm>>) dst(%dma_wait3A_321 : memref<128x32xf32, #tpu.memory_space<vmem>>)
      %dma_wait3A_328 = arith.constant 10 : i32
      %dma_wait3A_329 = arith.constant 1280 : i32
      %dma_wait3A_330 = arith.constant 0 : i32
      %dma_wait3A_331 = tpu.memref_slice %arg10[%dma_wait3A_329, %dma_wait3A_330] : memref<2688x32xf32, #tpu.memory_space<vmem>> -> memref<128x32xf32, #tpu.memory_space<vmem>>
      %dma_wait3A_332 = arith.constant 0 : i32
      %dma_wait3A_333 = tpu.memref_slice %arg8[%dma_wait3A_328, %dma_wait3A_332] : memref<24x128xi32, #tpu.memory_space<vmem>> -> memref<1x128xi32, #tpu.memory_space<vmem>>
      %dma_wait3A_334 = tpu.memref_squeeze %dma_wait3A_333 : memref<1x128xi32, #tpu.memory_space<vmem>> -> memref<128xi32, #tpu.memory_space<vmem>>
      %dma_wait3A_335 = arith.constant 0 : i32
      %dma_wait3A_336 = arith.constant 0 : i32
      %dma_wait3A_337 = tpu.memref_slice %arg5[%dma_wait3A_335, %dma_wait3A_336] : memref<1000000x32xf32, #tpu.memory_space<hbm>> -> memref<1000000x32xf32, #tpu.memory_space<hbm>>
      tpu.wait_indirect_dma semaphore(%arg12 : memref<!tpu.dma_semaphore, #tpu.memory_space<semaphore_mem>>) src(%dma_wait3A_337 : memref<1000000x32xf32, #tpu.memory_space<hbm>>) dst(%dma_wait3A_331 : memref<128x32xf32, #tpu.memory_space<vmem>>)
      %dma_wait3A_338 = arith.constant 11 : i32
      %dma_wait3A_339 = arith.constant 1408 : i32
      %dma_wait3A_340 = arith.constant 0 : i32
      %dma_wait3A_341 = tpu.memref_slice %arg10[%dma_wait3A_339, %dma_wait3A_340] : memref<2688x32xf32, #tpu.memory_space<vmem>> -> memref<128x32xf32, #tpu.memory_space<vmem>>
      %dma_wait3A_342 = arith.constant 0 : i32
      %dma_wait3A_343 = tpu.memref_slice %arg8[%dma_wait3A_338, %dma_wait3A_342] : memref<24x128xi32, #tpu.memory_space<vmem>> -> memref<1x128xi32, #tpu.memory_space<vmem>>
      %dma_wait3A_344 = tpu.memref_squeeze %dma_wait3A_343 : memref<1x128xi32, #tpu.memory_space<vmem>> -> memref<128xi32, #tpu.memory_space<vmem>>
      %dma_wait3A_345 = arith.constant 0 : i32
      %dma_wait3A_346 = arith.constant 0 : i32
      %dma_wait3A_347 = tpu.memref_slice %arg5[%dma_wait3A_345, %dma_wait3A_346] : memref<1000000x32xf32, #tpu.memory_space<hbm>> -> memref<1000000x32xf32, #tpu.memory_space<hbm>>
      tpu.wait_indirect_dma semaphore(%arg12 : memref<!tpu.dma_semaphore, #tpu.memory_space<semaphore_mem>>) src(%dma_wait3A_347 : memref<1000000x32xf32, #tpu.memory_space<hbm>>) dst(%dma_wait3A_341 : memref<128x32xf32, #tpu.memory_space<vmem>>)
      %dma_wait3A_348 = arith.constant 12 : i32
      %dma_wait3A_349 = arith.constant 1536 : i32
      %dma_wait3A_350 = arith.constant 0 : i32
      %dma_wait3A_351 = tpu.memref_slice %arg10[%dma_wait3A_349, %dma_wait3A_350] : memref<2688x32xf32, #tpu.memory_space<vmem>> -> memref<128x32xf32, #tpu.memory_space<vmem>>
      %dma_wait3A_352 = arith.constant 0 : i32
      %dma_wait3A_353 = tpu.memref_slice %arg8[%dma_wait3A_348, %dma_wait3A_352] : memref<24x128xi32, #tpu.memory_space<vmem>> -> memref<1x128xi32, #tpu.memory_space<vmem>>
      %dma_wait3A_354 = tpu.memref_squeeze %dma_wait3A_353 : memref<1x128xi32, #tpu.memory_space<vmem>> -> memref<128xi32, #tpu.memory_space<vmem>>
      %dma_wait3A_355 = arith.constant 0 : i32
      %dma_wait3A_356 = arith.constant 0 : i32
      %dma_wait3A_357 = tpu.memref_slice %arg5[%dma_wait3A_355, %dma_wait3A_356] : memref<1000000x32xf32, #tpu.memory_space<hbm>> -> memref<1000000x32xf32, #tpu.memory_space<hbm>>
      tpu.wait_indirect_dma semaphore(%arg12 : memref<!tpu.dma_semaphore, #tpu.memory_space<semaphore_mem>>) src(%dma_wait3A_357 : memref<1000000x32xf32, #tpu.memory_space<hbm>>) dst(%dma_wait3A_351 : memref<128x32xf32, #tpu.memory_space<vmem>>)
      %dma_wait3A_358 = arith.constant 13 : i32
      %dma_wait3A_359 = arith.constant 1664 : i32
      %dma_wait3A_360 = arith.constant 0 : i32
      %dma_wait3A_361 = tpu.memref_slice %arg10[%dma_wait3A_359, %dma_wait3A_360] : memref<2688x32xf32, #tpu.memory_space<vmem>> -> memref<128x32xf32, #tpu.memory_space<vmem>>
      %dma_wait3A_362 = arith.constant 0 : i32
      %dma_wait3A_363 = tpu.memref_slice %arg8[%dma_wait3A_358, %dma_wait3A_362] : memref<24x128xi32, #tpu.memory_space<vmem>> -> memref<1x128xi32, #tpu.memory_space<vmem>>
      %dma_wait3A_364 = tpu.memref_squeeze %dma_wait3A_363 : memref<1x128xi32, #tpu.memory_space<vmem>> -> memref<128xi32, #tpu.memory_space<vmem>>
      %dma_wait3A_365 = arith.constant 0 : i32
      %dma_wait3A_366 = arith.constant 0 : i32
      %dma_wait3A_367 = tpu.memref_slice %arg5[%dma_wait3A_365, %dma_wait3A_366] : memref<1000000x32xf32, #tpu.memory_space<hbm>> -> memref<1000000x32xf32, #tpu.memory_space<hbm>>
      tpu.wait_indirect_dma semaphore(%arg12 : memref<!tpu.dma_semaphore, #tpu.memory_space<semaphore_mem>>) src(%dma_wait3A_367 : memref<1000000x32xf32, #tpu.memory_space<hbm>>) dst(%dma_wait3A_361 : memref<128x32xf32, #tpu.memory_space<vmem>>)
      %dma_wait3A_368 = arith.constant 14 : i32
      %dma_wait3A_369 = arith.constant 1792 : i32
      %dma_wait3A_370 = arith.constant 0 : i32
      %dma_wait3A_371 = tpu.memref_slice %arg10[%dma_wait3A_369, %dma_wait3A_370] : memref<2688x32xf32, #tpu.memory_space<vmem>> -> memref<128x32xf32, #tpu.memory_space<vmem>>
      %dma_wait3A_372 = arith.constant 0 : i32
      %dma_wait3A_373 = tpu.memref_slice %arg8[%dma_wait3A_368, %dma_wait3A_372] : memref<24x128xi32, #tpu.memory_space<vmem>> -> memref<1x128xi32, #tpu.memory_space<vmem>>
      %dma_wait3A_374 = tpu.memref_squeeze %dma_wait3A_373 : memref<1x128xi32, #tpu.memory_space<vmem>> -> memref<128xi32, #tpu.memory_space<vmem>>
      %dma_wait3A_375 = arith.constant 0 : i32
      %dma_wait3A_376 = arith.constant 0 : i32
      %dma_wait3A_377 = tpu.memref_slice %arg5[%dma_wait3A_375, %dma_wait3A_376] : memref<1000000x32xf32, #tpu.memory_space<hbm>> -> memref<1000000x32xf32, #tpu.memory_space<hbm>>
      tpu.wait_indirect_dma semaphore(%arg12 : memref<!tpu.dma_semaphore, #tpu.memory_space<semaphore_mem>>) src(%dma_wait3A_377 : memref<1000000x32xf32, #tpu.memory_space<hbm>>) dst(%dma_wait3A_371 : memref<128x32xf32, #tpu.memory_space<vmem>>)
      %dma_wait3A_378 = arith.constant 15 : i32
      %dma_wait3A_379 = arith.constant 1920 : i32
      %dma_wait3A_380 = arith.constant 0 : i32
      %dma_wait3A_381 = tpu.memref_slice %arg10[%dma_wait3A_379, %dma_wait3A_380] : memref<2688x32xf32, #tpu.memory_space<vmem>> -> memref<128x32xf32, #tpu.memory_space<vmem>>
      %dma_wait3A_382 = arith.constant 0 : i32
      %dma_wait3A_383 = tpu.memref_slice %arg8[%dma_wait3A_378, %dma_wait3A_382] : memref<24x128xi32, #tpu.memory_space<vmem>> -> memref<1x128xi32, #tpu.memory_space<vmem>>
      %dma_wait3A_384 = tpu.memref_squeeze %dma_wait3A_383 : memref<1x128xi32, #tpu.memory_space<vmem>> -> memref<128xi32, #tpu.memory_space<vmem>>
      %dma_wait3A_385 = arith.constant 0 : i32
      %dma_wait3A_386 = arith.constant 0 : i32
      %dma_wait3A_387 = tpu.memref_slice %arg5[%dma_wait3A_385, %dma_wait3A_386] : memref<1000000x32xf32, #tpu.memory_space<hbm>> -> memref<1000000x32xf32, #tpu.memory_space<hbm>>
      tpu.wait_indirect_dma semaphore(%arg12 : memref<!tpu.dma_semaphore, #tpu.memory_space<semaphore_mem>>) src(%dma_wait3A_387 : memref<1000000x32xf32, #tpu.memory_space<hbm>>) dst(%dma_wait3A_381 : memref<128x32xf32, #tpu.memory_space<vmem>>)
      %dma_wait3A_388 = arith.constant 16 : i32
      %dma_wait3A_389 = arith.constant 2048 : i32
      %dma_wait3A_390 = arith.constant 0 : i32
      %dma_wait3A_391 = tpu.memref_slice %arg10[%dma_wait3A_389, %dma_wait3A_390] : memref<2688x32xf32, #tpu.memory_space<vmem>> -> memref<128x32xf32, #tpu.memory_space<vmem>>
      %dma_wait3A_392 = arith.constant 0 : i32
      %dma_wait3A_393 = tpu.memref_slice %arg8[%dma_wait3A_388, %dma_wait3A_392] : memref<24x128xi32, #tpu.memory_space<vmem>> -> memref<1x128xi32, #tpu.memory_space<vmem>>
      %dma_wait3A_394 = tpu.memref_squeeze %dma_wait3A_393 : memref<1x128xi32, #tpu.memory_space<vmem>> -> memref<128xi32, #tpu.memory_space<vmem>>
      %dma_wait3A_395 = arith.constant 0 : i32
      %dma_wait3A_396 = arith.constant 0 : i32
      %dma_wait3A_397 = tpu.memref_slice %arg5[%dma_wait3A_395, %dma_wait3A_396] : memref<1000000x32xf32, #tpu.memory_space<hbm>> -> memref<1000000x32xf32, #tpu.memory_space<hbm>>
      tpu.wait_indirect_dma semaphore(%arg12 : memref<!tpu.dma_semaphore, #tpu.memory_space<semaphore_mem>>) src(%dma_wait3A_397 : memref<1000000x32xf32, #tpu.memory_space<hbm>>) dst(%dma_wait3A_391 : memref<128x32xf32, #tpu.memory_space<vmem>>)
      %dma_wait3A_398 = arith.constant 17 : i32
      %dma_wait3A_399 = arith.constant 2176 : i32
      %dma_wait3A_400 = arith.constant 0 : i32
      %dma_wait3A_401 = tpu.memref_slice %arg10[%dma_wait3A_399, %dma_wait3A_400] : memref<2688x32xf32, #tpu.memory_space<vmem>> -> memref<128x32xf32, #tpu.memory_space<vmem>>
      %dma_wait3A_402 = arith.constant 0 : i32
      %dma_wait3A_403 = tpu.memref_slice %arg8[%dma_wait3A_398, %dma_wait3A_402] : memref<24x128xi32, #tpu.memory_space<vmem>> -> memref<1x128xi32, #tpu.memory_space<vmem>>
      %dma_wait3A_404 = tpu.memref_squeeze %dma_wait3A_403 : memref<1x128xi32, #tpu.memory_space<vmem>> -> memref<128xi32, #tpu.memory_space<vmem>>
      %dma_wait3A_405 = arith.constant 0 : i32
      %dma_wait3A_406 = arith.constant 0 : i32
      %dma_wait3A_407 = tpu.memref_slice %arg5[%dma_wait3A_405, %dma_wait3A_406] : memref<1000000x32xf32, #tpu.memory_space<hbm>> -> memref<1000000x32xf32, #tpu.memory_space<hbm>>
      tpu.wait_indirect_dma semaphore(%arg12 : memref<!tpu.dma_semaphore, #tpu.memory_space<semaphore_mem>>) src(%dma_wait3A_407 : memref<1000000x32xf32, #tpu.memory_space<hbm>>) dst(%dma_wait3A_401 : memref<128x32xf32, #tpu.memory_space<vmem>>)
      %dma_wait3A_408 = arith.constant 18 : i32
      %dma_wait3A_409 = arith.constant 2304 : i32
      %dma_wait3A_410 = arith.constant 0 : i32
      %dma_wait3A_411 = tpu.memref_slice %arg10[%dma_wait3A_409, %dma_wait3A_410] : memref<2688x32xf32, #tpu.memory_space<vmem>> -> memref<128x32xf32, #tpu.memory_space<vmem>>
      %dma_wait3A_412 = arith.constant 0 : i32
      %dma_wait3A_413 = tpu.memref_slice %arg8[%dma_wait3A_408, %dma_wait3A_412] : memref<24x128xi32, #tpu.memory_space<vmem>> -> memref<1x128xi32, #tpu.memory_space<vmem>>
      %dma_wait3A_414 = tpu.memref_squeeze %dma_wait3A_413 : memref<1x128xi32, #tpu.memory_space<vmem>> -> memref<128xi32, #tpu.memory_space<vmem>>
      %dma_wait3A_415 = arith.constant 0 : i32
      %dma_wait3A_416 = arith.constant 0 : i32
      %dma_wait3A_417 = tpu.memref_slice %arg5[%dma_wait3A_415, %dma_wait3A_416] : memref<1000000x32xf32, #tpu.memory_space<hbm>> -> memref<1000000x32xf32, #tpu.memory_space<hbm>>
      tpu.wait_indirect_dma semaphore(%arg12 : memref<!tpu.dma_semaphore, #tpu.memory_space<semaphore_mem>>) src(%dma_wait3A_417 : memref<1000000x32xf32, #tpu.memory_space<hbm>>) dst(%dma_wait3A_411 : memref<128x32xf32, #tpu.memory_space<vmem>>)
      %dma_wait3A_418 = arith.constant 19 : i32
      %dma_wait3A_419 = arith.constant 2432 : i32
      %dma_wait3A_420 = arith.constant 0 : i32
      %dma_wait3A_421 = tpu.memref_slice %arg10[%dma_wait3A_419, %dma_wait3A_420] : memref<2688x32xf32, #tpu.memory_space<vmem>> -> memref<128x32xf32, #tpu.memory_space<vmem>>
      %dma_wait3A_422 = arith.constant 0 : i32
      %dma_wait3A_423 = tpu.memref_slice %arg8[%dma_wait3A_418, %dma_wait3A_422] : memref<24x128xi32, #tpu.memory_space<vmem>> -> memref<1x128xi32, #tpu.memory_space<vmem>>
      %dma_wait3A_424 = tpu.memref_squeeze %dma_wait3A_423 : memref<1x128xi32, #tpu.memory_space<vmem>> -> memref<128xi32, #tpu.memory_space<vmem>>
      %dma_wait3A_425 = arith.constant 0 : i32
      %dma_wait3A_426 = arith.constant 0 : i32
      %dma_wait3A_427 = tpu.memref_slice %arg5[%dma_wait3A_425, %dma_wait3A_426] : memref<1000000x32xf32, #tpu.memory_space<hbm>> -> memref<1000000x32xf32, #tpu.memory_space<hbm>>
      tpu.wait_indirect_dma semaphore(%arg12 : memref<!tpu.dma_semaphore, #tpu.memory_space<semaphore_mem>>) src(%dma_wait3A_427 : memref<1000000x32xf32, #tpu.memory_space<hbm>>) dst(%dma_wait3A_421 : memref<128x32xf32, #tpu.memory_space<vmem>>)
      %dma_wait3A_428 = arith.constant 20 : i32
      %dma_wait3A_429 = arith.constant 2560 : i32
      %dma_wait3A_430 = arith.constant 0 : i32
      %dma_wait3A_431 = tpu.memref_slice %arg10[%dma_wait3A_429, %dma_wait3A_430] : memref<2688x32xf32, #tpu.memory_space<vmem>> -> memref<128x32xf32, #tpu.memory_space<vmem>>
      %dma_wait3A_432 = arith.constant 0 : i32
      %dma_wait3A_433 = tpu.memref_slice %arg8[%dma_wait3A_428, %dma_wait3A_432] : memref<24x128xi32, #tpu.memory_space<vmem>> -> memref<1x128xi32, #tpu.memory_space<vmem>>
      %dma_wait3A_434 = tpu.memref_squeeze %dma_wait3A_433 : memref<1x128xi32, #tpu.memory_space<vmem>> -> memref<128xi32, #tpu.memory_space<vmem>>
      %dma_wait3A_435 = arith.constant 0 : i32
      %dma_wait3A_436 = arith.constant 0 : i32
      %dma_wait3A_437 = tpu.memref_slice %arg5[%dma_wait3A_435, %dma_wait3A_436] : memref<1000000x32xf32, #tpu.memory_space<hbm>> -> memref<1000000x32xf32, #tpu.memory_space<hbm>>
      tpu.wait_indirect_dma semaphore(%arg12 : memref<!tpu.dma_semaphore, #tpu.memory_space<semaphore_mem>>) src(%dma_wait3A_437 : memref<1000000x32xf32, #tpu.memory_space<hbm>>) dst(%dma_wait3A_431 : memref<128x32xf32, #tpu.memory_space<vmem>>)
      %scan3A_438 = arith.constant 0 : i32
      %scan3A_439 = arith.constant 0 : i32
      %scan3A_440 = arith.constant 8 : i32
      %scan3A_441 = arith.addi %scan3A_439, %scan3A_440 : i32
      %scan3A_442 = arith.constant 1 : i32
      %scan3A_443 = scf.for %scan3A_446 = %scan3A_439 to %scan3A_441 step %scan3A_442 iter_args(%scan3A_447 = %scan3A_438) -> (i32)  : i32 {
        %mul3A_448 = arith.constant 16 : i32
        %mul3A_449 = arith.muli %scan3A_446, %mul3A_448 : i32
        %add3A_450 = vector.broadcast %mul3A_449 : i32 to vector<16xi32>
        %add3A_451 = arith.addi %add3A_450, %iota3A : vector<16xi32>
        %mul3A_452 = arith.constant 21 : i32
        %mul3A_453 = vector.broadcast %mul3A_452 : i32 to vector<16xi32>
        %mul3A_454 = arith.muli %add3A_451, %mul3A_453 : vector<16xi32>
        %broadcast_in_dim3A = arith.constant 0.000000e+00 : f32
        %broadcast_in_dim3A_455 = vector.broadcast %broadcast_in_dim3A : f32 to vector<16xf32>
        %broadcast_in_dim3A_456 = arith.constant 0.000000e+00 : f32
        %broadcast_in_dim3A_457 = vector.broadcast %broadcast_in_dim3A_456 : f32 to vector<16xf32>
        %broadcast_in_dim3A_458 = arith.constant 0.000000e+00 : f32
        %broadcast_in_dim3A_459 = vector.broadcast %broadcast_in_dim3A_458 : f32 to vector<16xf32>
        %broadcast_in_dim3A_460 = arith.constant 0.000000e+00 : f32
        %broadcast_in_dim3A_461 = vector.broadcast %broadcast_in_dim3A_460 : f32 to vector<16xf32>
        %broadcast_in_dim3A_462 = arith.constant 0.000000e+00 : f32
        %broadcast_in_dim3A_463 = vector.broadcast %broadcast_in_dim3A_462 : f32 to vector<16xf32>
        %broadcast_in_dim3A_464 = arith.constant 0.000000e+00 : f32
        %broadcast_in_dim3A_465 = vector.broadcast %broadcast_in_dim3A_464 : f32 to vector<16xf32>
        %broadcast_in_dim3A_466 = arith.constant 0.000000e+00 : f32
        %broadcast_in_dim3A_467 = vector.broadcast %broadcast_in_dim3A_466 : f32 to vector<16xf32>
        %broadcast_in_dim3A_468 = arith.constant 0.000000e+00 : f32
        %broadcast_in_dim3A_469 = vector.broadcast %broadcast_in_dim3A_468 : f32 to vector<16xf32>
        %broadcast_in_dim3A_470 = arith.constant 0.000000e+00 : f32
        %broadcast_in_dim3A_471 = vector.broadcast %broadcast_in_dim3A_470 : f32 to vector<16xf32>
        %broadcast_in_dim3A_472 = arith.constant 0.000000e+00 : f32
        %broadcast_in_dim3A_473 = vector.broadcast %broadcast_in_dim3A_472 : f32 to vector<16xf32>
        %broadcast_in_dim3A_474 = arith.constant 0.000000e+00 : f32
        %broadcast_in_dim3A_475 = vector.broadcast %broadcast_in_dim3A_474 : f32 to vector<16xf32>
        %broadcast_in_dim3A_476 = arith.constant 0.000000e+00 : f32
        %broadcast_in_dim3A_477 = vector.broadcast %broadcast_in_dim3A_476 : f32 to vector<16xf32>
        %broadcast_in_dim3A_478 = arith.constant 0.000000e+00 : f32
        %broadcast_in_dim3A_479 = vector.broadcast %broadcast_in_dim3A_478 : f32 to vector<16xf32>
        %broadcast_in_dim3A_480 = arith.constant 0.000000e+00 : f32
        %broadcast_in_dim3A_481 = vector.broadcast %broadcast_in_dim3A_480 : f32 to vector<16xf32>
        %broadcast_in_dim3A_482 = arith.constant 0.000000e+00 : f32
        %broadcast_in_dim3A_483 = vector.broadcast %broadcast_in_dim3A_482 : f32 to vector<16xf32>
        %broadcast_in_dim3A_484 = arith.constant 0.000000e+00 : f32
        %broadcast_in_dim3A_485 = vector.broadcast %broadcast_in_dim3A_484 : f32 to vector<16xf32>
        %broadcast_in_dim3A_486 = arith.constant 0.000000e+00 : f32
        %broadcast_in_dim3A_487 = vector.broadcast %broadcast_in_dim3A_486 : f32 to vector<16xf32>
        %broadcast_in_dim3A_488 = arith.constant 0.000000e+00 : f32
        %broadcast_in_dim3A_489 = vector.broadcast %broadcast_in_dim3A_488 : f32 to vector<16xf32>
        %broadcast_in_dim3A_490 = arith.constant 0.000000e+00 : f32
        %broadcast_in_dim3A_491 = vector.broadcast %broadcast_in_dim3A_490 : f32 to vector<16xf32>
        %broadcast_in_dim3A_492 = arith.constant 0.000000e+00 : f32
        %broadcast_in_dim3A_493 = vector.broadcast %broadcast_in_dim3A_492 : f32 to vector<16xf32>
        %broadcast_in_dim3A_494 = arith.constant 0.000000e+00 : f32
        %broadcast_in_dim3A_495 = vector.broadcast %broadcast_in_dim3A_494 : f32 to vector<16xf32>
        %scan3A_496 = arith.constant 0 : i32
        %scan3A_497 = arith.constant 32 : i32
        %scan3A_498 = arith.addi %scan3A_496, %scan3A_497 : i32
        %scan3A_499 = arith.constant 1 : i32
        %scan3A_500:21 = scf.for %scan3A_648 = %scan3A_496 to %scan3A_498 step %scan3A_499 iter_args(%scan3A_649 = %broadcast_in_dim3A_455, %scan3A_650 = %broadcast_in_dim3A_457, %scan3A_651 = %broadcast_in_dim3A_459, %scan3A_652 = %broadcast_in_dim3A_461, %scan3A_653 = %broadcast_in_dim3A_463, %scan3A_654 = %broadcast_in_dim3A_465, %scan3A_655 = %broadcast_in_dim3A_467, %scan3A_656 = %broadcast_in_dim3A_469, %scan3A_657 = %broadcast_in_dim3A_471, %scan3A_658 = %broadcast_in_dim3A_473, %scan3A_659 = %broadcast_in_dim3A_475, %scan3A_660 = %broadcast_in_dim3A_477, %scan3A_661 = %broadcast_in_dim3A_479, %scan3A_662 = %broadcast_in_dim3A_481, %scan3A_663 = %broadcast_in_dim3A_483, %scan3A_664 = %broadcast_in_dim3A_485, %scan3A_665 = %broadcast_in_dim3A_487, %scan3A_666 = %broadcast_in_dim3A_489, %scan3A_667 = %broadcast_in_dim3A_491, %scan3A_668 = %broadcast_in_dim3A_493, %scan3A_669 = %broadcast_in_dim3A_495) -> (vector<16xf32>, vector<16xf32>, vector<16xf32>, vector<16xf32>, vector<16xf32>, vector<16xf32>, vector<16xf32>, vector<16xf32>, vector<16xf32>, vector<16xf32>, vector<16xf32>, vector<16xf32>, vector<16xf32>, vector<16xf32>, vector<16xf32>, vector<16xf32>, vector<16xf32>, vector<16xf32>, vector<16xf32>, vector<16xf32>, vector<16xf32>)  : i32 {
          %add3A_670 = vector.broadcast %scan3A_648 : i32 to vector<16xi32>
          %add3A_671 = arith.addi %iota3A, %add3A_670 : vector<16xi32>
          %and3A = arith.constant 31 : i32
          %and3A_672 = vector.broadcast %and3A : i32 to vector<16xi32>
          %and3A_673 = arith.andi %add3A_671, %and3A_672 : vector<16xi32>
          %gather3A = tpu.vector_load_idx %arg9[%add3A_451, %and3A_673] : memref<128x32xf32, #tpu.memory_space<vmem>>[vector<16xi32>, vector<16xi32>], vector<16xf32>,
          %add3A_674 = arith.constant 0 : i32
          %add3A_675 = vector.broadcast %add3A_674 : i32 to vector<16xi32>
          %add3A_676 = arith.addi %mul3A_454, %add3A_675 : vector<16xi32>
          %gather3A_677 = tpu.vector_load_idx %arg10[%add3A_676, %and3A_673] : memref<2688x32xf32, #tpu.memory_space<vmem>>[vector<16xi32>, vector<16xi32>], vector<16xf32>,
          %mul3A_678 = arith.mulf %gather3A, %gather3A_677 : vector<16xf32>
          %add3A_679 = arith.addf %scan3A_649, %mul3A_678 : vector<16xf32>
          %add3A_680 = arith.constant 1 : i32
          %add3A_681 = vector.broadcast %add3A_680 : i32 to vector<16xi32>
          %add3A_682 = arith.addi %mul3A_454, %add3A_681 : vector<16xi32>
          %gather3A_683 = tpu.vector_load_idx %arg10[%add3A_682, %and3A_673] : memref<2688x32xf32, #tpu.memory_space<vmem>>[vector<16xi32>, vector<16xi32>], vector<16xf32>,
          %mul3A_684 = arith.mulf %gather3A, %gather3A_683 : vector<16xf32>
          %add3A_685 = arith.addf %scan3A_650, %mul3A_684 : vector<16xf32>
          %add3A_686 = arith.constant 2 : i32
          %add3A_687 = vector.broadcast %add3A_686 : i32 to vector<16xi32>
          %add3A_688 = arith.addi %mul3A_454, %add3A_687 : vector<16xi32>
          %gather3A_689 = tpu.vector_load_idx %arg10[%add3A_688, %and3A_673] : memref<2688x32xf32, #tpu.memory_space<vmem>>[vector<16xi32>, vector<16xi32>], vector<16xf32>,
          %mul3A_690 = arith.mulf %gather3A, %gather3A_689 : vector<16xf32>
          %add3A_691 = arith.addf %scan3A_651, %mul3A_690 : vector<16xf32>
          %add3A_692 = arith.constant 3 : i32
          %add3A_693 = vector.broadcast %add3A_692 : i32 to vector<16xi32>
          %add3A_694 = arith.addi %mul3A_454, %add3A_693 : vector<16xi32>
          %gather3A_695 = tpu.vector_load_idx %arg10[%add3A_694, %and3A_673] : memref<2688x32xf32, #tpu.memory_space<vmem>>[vector<16xi32>, vector<16xi32>], vector<16xf32>,
          %mul3A_696 = arith.mulf %gather3A, %gather3A_695 : vector<16xf32>
          %add3A_697 = arith.addf %scan3A_652, %mul3A_696 : vector<16xf32>
          %add3A_698 = arith.constant 4 : i32
          %add3A_699 = vector.broadcast %add3A_698 : i32 to vector<16xi32>
          %add3A_700 = arith.addi %mul3A_454, %add3A_699 : vector<16xi32>
          %gather3A_701 = tpu.vector_load_idx %arg10[%add3A_700, %and3A_673] : memref<2688x32xf32, #tpu.memory_space<vmem>>[vector<16xi32>, vector<16xi32>], vector<16xf32>,
          %mul3A_702 = arith.mulf %gather3A, %gather3A_701 : vector<16xf32>
          %add3A_703 = arith.addf %scan3A_653, %mul3A_702 : vector<16xf32>
          %add3A_704 = arith.constant 5 : i32
          %add3A_705 = vector.broadcast %add3A_704 : i32 to vector<16xi32>
          %add3A_706 = arith.addi %mul3A_454, %add3A_705 : vector<16xi32>
          %gather3A_707 = tpu.vector_load_idx %arg10[%add3A_706, %and3A_673] : memref<2688x32xf32, #tpu.memory_space<vmem>>[vector<16xi32>, vector<16xi32>], vector<16xf32>,
          %mul3A_708 = arith.mulf %gather3A, %gather3A_707 : vector<16xf32>
          %add3A_709 = arith.addf %scan3A_654, %mul3A_708 : vector<16xf32>
          %add3A_710 = arith.constant 6 : i32
          %add3A_711 = vector.broadcast %add3A_710 : i32 to vector<16xi32>
          %add3A_712 = arith.addi %mul3A_454, %add3A_711 : vector<16xi32>
          %gather3A_713 = tpu.vector_load_idx %arg10[%add3A_712, %and3A_673] : memref<2688x32xf32, #tpu.memory_space<vmem>>[vector<16xi32>, vector<16xi32>], vector<16xf32>,
          %mul3A_714 = arith.mulf %gather3A, %gather3A_713 : vector<16xf32>
          %add3A_715 = arith.addf %scan3A_655, %mul3A_714 : vector<16xf32>
          %add3A_716 = arith.constant 7 : i32
          %add3A_717 = vector.broadcast %add3A_716 : i32 to vector<16xi32>
          %add3A_718 = arith.addi %mul3A_454, %add3A_717 : vector<16xi32>
          %gather3A_719 = tpu.vector_load_idx %arg10[%add3A_718, %and3A_673] : memref<2688x32xf32, #tpu.memory_space<vmem>>[vector<16xi32>, vector<16xi32>], vector<16xf32>,
          %mul3A_720 = arith.mulf %gather3A, %gather3A_719 : vector<16xf32>
          %add3A_721 = arith.addf %scan3A_656, %mul3A_720 : vector<16xf32>
          %add3A_722 = arith.constant 8 : i32
          %add3A_723 = vector.broadcast %add3A_722 : i32 to vector<16xi32>
          %add3A_724 = arith.addi %mul3A_454, %add3A_723 : vector<16xi32>
          %gather3A_725 = tpu.vector_load_idx %arg10[%add3A_724, %and3A_673] : memref<2688x32xf32, #tpu.memory_space<vmem>>[vector<16xi32>, vector<16xi32>], vector<16xf32>,
          %mul3A_726 = arith.mulf %gather3A, %gather3A_725 : vector<16xf32>
          %add3A_727 = arith.addf %scan3A_657, %mul3A_726 : vector<16xf32>
          %add3A_728 = arith.constant 9 : i32
          %add3A_729 = vector.broadcast %add3A_728 : i32 to vector<16xi32>
          %add3A_730 = arith.addi %mul3A_454, %add3A_729 : vector<16xi32>
          %gather3A_731 = tpu.vector_load_idx %arg10[%add3A_730, %and3A_673] : memref<2688x32xf32, #tpu.memory_space<vmem>>[vector<16xi32>, vector<16xi32>], vector<16xf32>,
          %mul3A_732 = arith.mulf %gather3A, %gather3A_731 : vector<16xf32>
          %add3A_733 = arith.addf %scan3A_658, %mul3A_732 : vector<16xf32>
          %add3A_734 = arith.constant 10 : i32
          %add3A_735 = vector.broadcast %add3A_734 : i32 to vector<16xi32>
          %add3A_736 = arith.addi %mul3A_454, %add3A_735 : vector<16xi32>
          %gather3A_737 = tpu.vector_load_idx %arg10[%add3A_736, %and3A_673] : memref<2688x32xf32, #tpu.memory_space<vmem>>[vector<16xi32>, vector<16xi32>], vector<16xf32>,
          %mul3A_738 = arith.mulf %gather3A, %gather3A_737 : vector<16xf32>
          %add3A_739 = arith.addf %scan3A_659, %mul3A_738 : vector<16xf32>
          %add3A_740 = arith.constant 11 : i32
          %add3A_741 = vector.broadcast %add3A_740 : i32 to vector<16xi32>
          %add3A_742 = arith.addi %mul3A_454, %add3A_741 : vector<16xi32>
          %gather3A_743 = tpu.vector_load_idx %arg10[%add3A_742, %and3A_673] : memref<2688x32xf32, #tpu.memory_space<vmem>>[vector<16xi32>, vector<16xi32>], vector<16xf32>,
          %mul3A_744 = arith.mulf %gather3A, %gather3A_743 : vector<16xf32>
          %add3A_745 = arith.addf %scan3A_660, %mul3A_744 : vector<16xf32>
          %add3A_746 = arith.constant 12 : i32
          %add3A_747 = vector.broadcast %add3A_746 : i32 to vector<16xi32>
          %add3A_748 = arith.addi %mul3A_454, %add3A_747 : vector<16xi32>
          %gather3A_749 = tpu.vector_load_idx %arg10[%add3A_748, %and3A_673] : memref<2688x32xf32, #tpu.memory_space<vmem>>[vector<16xi32>, vector<16xi32>], vector<16xf32>,
          %mul3A_750 = arith.mulf %gather3A, %gather3A_749 : vector<16xf32>
          %add3A_751 = arith.addf %scan3A_661, %mul3A_750 : vector<16xf32>
          %add3A_752 = arith.constant 13 : i32
          %add3A_753 = vector.broadcast %add3A_752 : i32 to vector<16xi32>
          %add3A_754 = arith.addi %mul3A_454, %add3A_753 : vector<16xi32>
          %gather3A_755 = tpu.vector_load_idx %arg10[%add3A_754, %and3A_673] : memref<2688x32xf32, #tpu.memory_space<vmem>>[vector<16xi32>, vector<16xi32>], vector<16xf32>,
          %mul3A_756 = arith.mulf %gather3A, %gather3A_755 : vector<16xf32>
          %add3A_757 = arith.addf %scan3A_662, %mul3A_756 : vector<16xf32>
          %add3A_758 = arith.constant 14 : i32
          %add3A_759 = vector.broadcast %add3A_758 : i32 to vector<16xi32>
          %add3A_760 = arith.addi %mul3A_454, %add3A_759 : vector<16xi32>
          %gather3A_761 = tpu.vector_load_idx %arg10[%add3A_760, %and3A_673] : memref<2688x32xf32, #tpu.memory_space<vmem>>[vector<16xi32>, vector<16xi32>], vector<16xf32>,
          %mul3A_762 = arith.mulf %gather3A, %gather3A_761 : vector<16xf32>
          %add3A_763 = arith.addf %scan3A_663, %mul3A_762 : vector<16xf32>
          %add3A_764 = arith.constant 15 : i32
          %add3A_765 = vector.broadcast %add3A_764 : i32 to vector<16xi32>
          %add3A_766 = arith.addi %mul3A_454, %add3A_765 : vector<16xi32>
          %gather3A_767 = tpu.vector_load_idx %arg10[%add3A_766, %and3A_673] : memref<2688x32xf32, #tpu.memory_space<vmem>>[vector<16xi32>, vector<16xi32>], vector<16xf32>,
          %mul3A_768 = arith.mulf %gather3A, %gather3A_767 : vector<16xf32>
          %add3A_769 = arith.addf %scan3A_664, %mul3A_768 : vector<16xf32>
          %add3A_770 = arith.constant 16 : i32
          %add3A_771 = vector.broadcast %add3A_770 : i32 to vector<16xi32>
          %add3A_772 = arith.addi %mul3A_454, %add3A_771 : vector<16xi32>
          %gather3A_773 = tpu.vector_load_idx %arg10[%add3A_772, %and3A_673] : memref<2688x32xf32, #tpu.memory_space<vmem>>[vector<16xi32>, vector<16xi32>], vector<16xf32>,
          %mul3A_774 = arith.mulf %gather3A, %gather3A_773 : vector<16xf32>
          %add3A_775 = arith.addf %scan3A_665, %mul3A_774 : vector<16xf32>
          %add3A_776 = arith.constant 17 : i32
          %add3A_777 = vector.broadcast %add3A_776 : i32 to vector<16xi32>
          %add3A_778 = arith.addi %mul3A_454, %add3A_777 : vector<16xi32>
          %gather3A_779 = tpu.vector_load_idx %arg10[%add3A_778, %and3A_673] : memref<2688x32xf32, #tpu.memory_space<vmem>>[vector<16xi32>, vector<16xi32>], vector<16xf32>,
          %mul3A_780 = arith.mulf %gather3A, %gather3A_779 : vector<16xf32>
          %add3A_781 = arith.addf %scan3A_666, %mul3A_780 : vector<16xf32>
          %add3A_782 = arith.constant 18 : i32
          %add3A_783 = vector.broadcast %add3A_782 : i32 to vector<16xi32>
          %add3A_784 = arith.addi %mul3A_454, %add3A_783 : vector<16xi32>
          %gather3A_785 = tpu.vector_load_idx %arg10[%add3A_784, %and3A_673] : memref<2688x32xf32, #tpu.memory_space<vmem>>[vector<16xi32>, vector<16xi32>], vector<16xf32>,
          %mul3A_786 = arith.mulf %gather3A, %gather3A_785 : vector<16xf32>
          %add3A_787 = arith.addf %scan3A_667, %mul3A_786 : vector<16xf32>
          %add3A_788 = arith.constant 19 : i32
          %add3A_789 = vector.broadcast %add3A_788 : i32 to vector<16xi32>
          %add3A_790 = arith.addi %mul3A_454, %add3A_789 : vector<16xi32>
          %gather3A_791 = tpu.vector_load_idx %arg10[%add3A_790, %and3A_673] : memref<2688x32xf32, #tpu.memory_space<vmem>>[vector<16xi32>, vector<16xi32>], vector<16xf32>,
          %mul3A_792 = arith.mulf %gather3A, %gather3A_791 : vector<16xf32>
          %add3A_793 = arith.addf %scan3A_668, %mul3A_792 : vector<16xf32>
          %add3A_794 = arith.constant 20 : i32
          %add3A_795 = vector.broadcast %add3A_794 : i32 to vector<16xi32>
          %add3A_796 = arith.addi %mul3A_454, %add3A_795 : vector<16xi32>
          %gather3A_797 = tpu.vector_load_idx %arg10[%add3A_796, %and3A_673] : memref<2688x32xf32, #tpu.memory_space<vmem>>[vector<16xi32>, vector<16xi32>], vector<16xf32>,
          %mul3A_798 = arith.mulf %gather3A, %gather3A_797 : vector<16xf32>
          %add3A_799 = arith.addf %scan3A_669, %mul3A_798 : vector<16xf32>
          scf.yield %add3A_679, %add3A_685, %add3A_691, %add3A_697, %add3A_703, %add3A_709, %add3A_715, %add3A_721, %add3A_727, %add3A_733, %add3A_739, %add3A_745, %add3A_751, %add3A_757, %add3A_763, %add3A_769, %add3A_775, %add3A_781, %add3A_787, %add3A_793, %add3A_799 : vector<16xf32>, vector<16xf32>, vector<16xf32>, vector<16xf32>, vector<16xf32>, vector<16xf32>, vector<16xf32>, vector<16xf32>, vector<16xf32>, vector<16xf32>, vector<16xf32>, vector<16xf32>, vector<16xf32>, vector<16xf32>, vector<16xf32>, vector<16xf32>, vector<16xf32>, vector<16xf32>, vector<16xf32>, vector<16xf32>, vector<16xf32>
        }
        %scan3A_501 = arith.constant 32 : i32
        %mul3A_502 = arith.constant 16 : i32
        %mul3A_503 = arith.muli %scan3A_446, %mul3A_502 : i32
        %swap3A = arith.constant 0 : i32
        %swap3A_504 = arith.index_cast %swap3A : i32 to index
        %swap3A_505 = arith.index_cast %mul3A_503 : i32 to index
        %swap3A_506 = tpu.vector_load %arg11[%swap3A_504, %swap3A_505] {strides = array<i32>} : memref<24x128xf32, #tpu.memory_space<vmem>>, vector<16xf32>,
        tpu.vector_store %arg11[%swap3A_504, %swap3A_505], %scan3A_500#0 {strides = array<i32>} : memref<24x128xf32, #tpu.memory_space<vmem>>, vector<16xf32>,
        %mul3A_507 = arith.constant 16 : i32
        %mul3A_508 = arith.muli %scan3A_446, %mul3A_507 : i32
        %swap3A_509 = arith.constant 1 : i32
        %swap3A_510 = arith.index_cast %swap3A_509 : i32 to index
        %swap3A_511 = arith.index_cast %mul3A_508 : i32 to index
        %swap3A_512 = tpu.vector_load %arg11[%swap3A_510, %swap3A_511] {strides = array<i32>} : memref<24x128xf32, #tpu.memory_space<vmem>>, vector<16xf32>,
        tpu.vector_store %arg11[%swap3A_510, %swap3A_511], %scan3A_500#1 {strides = array<i32>} : memref<24x128xf32, #tpu.memory_space<vmem>>, vector<16xf32>,
        %mul3A_513 = arith.constant 16 : i32
        %mul3A_514 = arith.muli %scan3A_446, %mul3A_513 : i32
        %swap3A_515 = arith.constant 2 : i32
        %swap3A_516 = arith.index_cast %swap3A_515 : i32 to index
        %swap3A_517 = arith.index_cast %mul3A_514 : i32 to index
        %swap3A_518 = tpu.vector_load %arg11[%swap3A_516, %swap3A_517] {strides = array<i32>} : memref<24x128xf32, #tpu.memory_space<vmem>>, vector<16xf32>,
        tpu.vector_store %arg11[%swap3A_516, %swap3A_517], %scan3A_500#2 {strides = array<i32>} : memref<24x128xf32, #tpu.memory_space<vmem>>, vector<16xf32>,
        %mul3A_519 = arith.constant 16 : i32
        %mul3A_520 = arith.muli %scan3A_446, %mul3A_519 : i32
        %swap3A_521 = arith.constant 3 : i32
        %swap3A_522 = arith.index_cast %swap3A_521 : i32 to index
        %swap3A_523 = arith.index_cast %mul3A_520 : i32 to index
        %swap3A_524 = tpu.vector_load %arg11[%swap3A_522, %swap3A_523] {strides = array<i32>} : memref<24x128xf32, #tpu.memory_space<vmem>>, vector<16xf32>,
        tpu.vector_store %arg11[%swap3A_522, %swap3A_523], %scan3A_500#3 {strides = array<i32>} : memref<24x128xf32, #tpu.memory_space<vmem>>, vector<16xf32>,
        %mul3A_525 = arith.constant 16 : i32
        %mul3A_526 = arith.muli %scan3A_446, %mul3A_525 : i32
        %swap3A_527 = arith.constant 4 : i32
        %swap3A_528 = arith.index_cast %swap3A_527 : i32 to index
        %swap3A_529 = arith.index_cast %mul3A_526 : i32 to index
        %swap3A_530 = tpu.vector_load %arg11[%swap3A_528, %swap3A_529] {strides = array<i32>} : memref<24x128xf32, #tpu.memory_space<vmem>>, vector<16xf32>,
        tpu.vector_store %arg11[%swap3A_528, %swap3A_529], %scan3A_500#4 {strides = array<i32>} : memref<24x128xf32, #tpu.memory_space<vmem>>, vector<16xf32>,
        %mul3A_531 = arith.constant 16 : i32
        %mul3A_532 = arith.muli %scan3A_446, %mul3A_531 : i32
        %swap3A_533 = arith.constant 5 : i32
        %swap3A_534 = arith.index_cast %swap3A_533 : i32 to index
        %swap3A_535 = arith.index_cast %mul3A_532 : i32 to index
        %swap3A_536 = tpu.vector_load %arg11[%swap3A_534, %swap3A_535] {strides = array<i32>} : memref<24x128xf32, #tpu.memory_space<vmem>>, vector<16xf32>,
        tpu.vector_store %arg11[%swap3A_534, %swap3A_535], %scan3A_500#5 {strides = array<i32>} : memref<24x128xf32, #tpu.memory_space<vmem>>, vector<16xf32>,
        %mul3A_537 = arith.constant 16 : i32
        %mul3A_538 = arith.muli %scan3A_446, %mul3A_537 : i32
        %swap3A_539 = arith.constant 6 : i32
        %swap3A_540 = arith.index_cast %swap3A_539 : i32 to index
        %swap3A_541 = arith.index_cast %mul3A_538 : i32 to index
        %swap3A_542 = tpu.vector_load %arg11[%swap3A_540, %swap3A_541] {strides = array<i32>} : memref<24x128xf32, #tpu.memory_space<vmem>>, vector<16xf32>,
        tpu.vector_store %arg11[%swap3A_540, %swap3A_541], %scan3A_500#6 {strides = array<i32>} : memref<24x128xf32, #tpu.memory_space<vmem>>, vector<16xf32>,
        %mul3A_543 = arith.constant 16 : i32
        %mul3A_544 = arith.muli %scan3A_446, %mul3A_543 : i32
        %swap3A_545 = arith.constant 7 : i32
        %swap3A_546 = arith.index_cast %swap3A_545 : i32 to index
        %swap3A_547 = arith.index_cast %mul3A_544 : i32 to index
        %swap3A_548 = tpu.vector_load %arg11[%swap3A_546, %swap3A_547] {strides = array<i32>} : memref<24x128xf32, #tpu.memory_space<vmem>>, vector<16xf32>,
        tpu.vector_store %arg11[%swap3A_546, %swap3A_547], %scan3A_500#7 {strides = array<i32>} : memref<24x128xf32, #tpu.memory_space<vmem>>, vector<16xf32>,
        %mul3A_549 = arith.constant 16 : i32
        %mul3A_550 = arith.muli %scan3A_446, %mul3A_549 : i32
        %swap3A_551 = arith.constant 8 : i32
        %swap3A_552 = arith.index_cast %swap3A_551 : i32 to index
        %swap3A_553 = arith.index_cast %mul3A_550 : i32 to index
        %swap3A_554 = tpu.vector_load %arg11[%swap3A_552, %swap3A_553] {strides = array<i32>} : memref<24x128xf32, #tpu.memory_space<vmem>>, vector<16xf32>,
        tpu.vector_store %arg11[%swap3A_552, %swap3A_553], %scan3A_500#8 {strides = array<i32>} : memref<24x128xf32, #tpu.memory_space<vmem>>, vector<16xf32>,
        %mul3A_555 = arith.constant 16 : i32
        %mul3A_556 = arith.muli %scan3A_446, %mul3A_555 : i32
        %swap3A_557 = arith.constant 9 : i32
        %swap3A_558 = arith.index_cast %swap3A_557 : i32 to index
        %swap3A_559 = arith.index_cast %mul3A_556 : i32 to index
        %swap3A_560 = tpu.vector_load %arg11[%swap3A_558, %swap3A_559] {strides = array<i32>} : memref<24x128xf32, #tpu.memory_space<vmem>>, vector<16xf32>,
        tpu.vector_store %arg11[%swap3A_558, %swap3A_559], %scan3A_500#9 {strides = array<i32>} : memref<24x128xf32, #tpu.memory_space<vmem>>, vector<16xf32>,
        %mul3A_561 = arith.constant 16 : i32
        %mul3A_562 = arith.muli %scan3A_446, %mul3A_561 : i32
        %swap3A_563 = arith.constant 10 : i32
        %swap3A_564 = arith.index_cast %swap3A_563 : i32 to index
        %swap3A_565 = arith.index_cast %mul3A_562 : i32 to index
        %swap3A_566 = tpu.vector_load %arg11[%swap3A_564, %swap3A_565] {strides = array<i32>} : memref<24x128xf32, #tpu.memory_space<vmem>>, vector<16xf32>,
        tpu.vector_store %arg11[%swap3A_564, %swap3A_565], %scan3A_500#10 {strides = array<i32>} : memref<24x128xf32, #tpu.memory_space<vmem>>, vector<16xf32>,
        %mul3A_567 = arith.constant 16 : i32
        %mul3A_568 = arith.muli %scan3A_446, %mul3A_567 : i32
        %swap3A_569 = arith.constant 11 : i32
        %swap3A_570 = arith.index_cast %swap3A_569 : i32 to index
        %swap3A_571 = arith.index_cast %mul3A_568 : i32 to index
        %swap3A_572 = tpu.vector_load %arg11[%swap3A_570, %swap3A_571] {strides = array<i32>} : memref<24x128xf32, #tpu.memory_space<vmem>>, vector<16xf32>,
        tpu.vector_store %arg11[%swap3A_570, %swap3A_571], %scan3A_500#11 {strides = array<i32>} : memref<24x128xf32, #tpu.memory_space<vmem>>, vector<16xf32>,
        %mul3A_573 = arith.constant 16 : i32
        %mul3A_574 = arith.muli %scan3A_446, %mul3A_573 : i32
        %swap3A_575 = arith.constant 12 : i32
        %swap3A_576 = arith.index_cast %swap3A_575 : i32 to index
        %swap3A_577 = arith.index_cast %mul3A_574 : i32 to index
        %swap3A_578 = tpu.vector_load %arg11[%swap3A_576, %swap3A_577] {strides = array<i32>} : memref<24x128xf32, #tpu.memory_space<vmem>>, vector<16xf32>,
        tpu.vector_store %arg11[%swap3A_576, %swap3A_577], %scan3A_500#12 {strides = array<i32>} : memref<24x128xf32, #tpu.memory_space<vmem>>, vector<16xf32>,
        %mul3A_579 = arith.constant 16 : i32
        %mul3A_580 = arith.muli %scan3A_446, %mul3A_579 : i32
        %swap3A_581 = arith.constant 13 : i32
        %swap3A_582 = arith.index_cast %swap3A_581 : i32 to index
        %swap3A_583 = arith.index_cast %mul3A_580 : i32 to index
        %swap3A_584 = tpu.vector_load %arg11[%swap3A_582, %swap3A_583] {strides = array<i32>} : memref<24x128xf32, #tpu.memory_space<vmem>>, vector<16xf32>,
        tpu.vector_store %arg11[%swap3A_582, %swap3A_583], %scan3A_500#13 {strides = array<i32>} : memref<24x128xf32, #tpu.memory_space<vmem>>, vector<16xf32>,
        %mul3A_585 = arith.constant 16 : i32
        %mul3A_586 = arith.muli %scan3A_446, %mul3A_585 : i32
        %swap3A_587 = arith.constant 14 : i32
        %swap3A_588 = arith.index_cast %swap3A_587 : i32 to index
        %swap3A_589 = arith.index_cast %mul3A_586 : i32 to index
        %swap3A_590 = tpu.vector_load %arg11[%swap3A_588, %swap3A_589] {strides = array<i32>} : memref<24x128xf32, #tpu.memory_space<vmem>>, vector<16xf32>,
        tpu.vector_store %arg11[%swap3A_588, %swap3A_589], %scan3A_500#14 {strides = array<i32>} : memref<24x128xf32, #tpu.memory_space<vmem>>, vector<16xf32>,
        %mul3A_591 = arith.constant 16 : i32
        %mul3A_592 = arith.muli %scan3A_446, %mul3A_591 : i32
        %swap3A_593 = arith.constant 15 : i32
        %swap3A_594 = arith.index_cast %swap3A_593 : i32 to index
        %swap3A_595 = arith.index_cast %mul3A_592 : i32 to index
        %swap3A_596 = tpu.vector_load %arg11[%swap3A_594, %swap3A_595] {strides = array<i32>} : memref<24x128xf32, #tpu.memory_space<vmem>>, vector<16xf32>,
        tpu.vector_store %arg11[%swap3A_594, %swap3A_595], %scan3A_500#15 {strides = array<i32>} : memref<24x128xf32, #tpu.memory_space<vmem>>, vector<16xf32>,
        %mul3A_597 = arith.constant 16 : i32
        %mul3A_598 = arith.muli %scan3A_446, %mul3A_597 : i32
        %swap3A_599 = arith.constant 16 : i32
        %swap3A_600 = arith.index_cast %swap3A_599 : i32 to index
        %swap3A_601 = arith.index_cast %mul3A_598 : i32 to index
        %swap3A_602 = tpu.vector_load %arg11[%swap3A_600, %swap3A_601] {strides = array<i32>} : memref<24x128xf32, #tpu.memory_space<vmem>>, vector<16xf32>,
        tpu.vector_store %arg11[%swap3A_600, %swap3A_601], %scan3A_500#16 {strides = array<i32>} : memref<24x128xf32, #tpu.memory_space<vmem>>, vector<16xf32>,
        %mul3A_603 = arith.constant 16 : i32
        %mul3A_604 = arith.muli %scan3A_446, %mul3A_603 : i32
        %swap3A_605 = arith.constant 17 : i32
        %swap3A_606 = arith.index_cast %swap3A_605 : i32 to index
        %swap3A_607 = arith.index_cast %mul3A_604 : i32 to index
        %swap3A_608 = tpu.vector_load %arg11[%swap3A_606, %swap3A_607] {strides = array<i32>} : memref<24x128xf32, #tpu.memory_space<vmem>>, vector<16xf32>,
        tpu.vector_store %arg11[%swap3A_606, %swap3A_607], %scan3A_500#17 {strides = array<i32>} : memref<24x128xf32, #tpu.memory_space<vmem>>, vector<16xf32>,
        %mul3A_609 = arith.constant 16 : i32
        %mul3A_610 = arith.muli %scan3A_446, %mul3A_609 : i32
        %swap3A_611 = arith.constant 18 : i32
        %swap3A_612 = arith.index_cast %swap3A_611 : i32 to index
        %swap3A_613 = arith.index_cast %mul3A_610 : i32 to index
        %swap3A_614 = tpu.vector_load %arg11[%swap3A_612, %swap3A_613] {strides = array<i32>} : memref<24x128xf32, #tpu.memory_space<vmem>>, vector<16xf32>,
        tpu.vector_store %arg11[%swap3A_612, %swap3A_613], %scan3A_500#18 {strides = array<i32>} : memref<24x128xf32, #tpu.memory_space<vmem>>, vector<16xf32>,
        %mul3A_615 = arith.constant 16 : i32
        %mul3A_616 = arith.muli %scan3A_446, %mul3A_615 : i32
        %swap3A_617 = arith.constant 19 : i32
        %swap3A_618 = arith.index_cast %swap3A_617 : i32 to index
        %swap3A_619 = arith.index_cast %mul3A_616 : i32 to index
        %swap3A_620 = tpu.vector_load %arg11[%swap3A_618, %swap3A_619] {strides = array<i32>} : memref<24x128xf32, #tpu.memory_space<vmem>>, vector<16xf32>,
        tpu.vector_store %arg11[%swap3A_618, %swap3A_619], %scan3A_500#19 {strides = array<i32>} : memref<24x128xf32, #tpu.memory_space<vmem>>, vector<16xf32>,
        %mul3A_621 = arith.constant 16 : i32
        %mul3A_622 = arith.muli %scan3A_446, %mul3A_621 : i32
        %swap3A_623 = arith.constant 20 : i32
        %swap3A_624 = arith.index_cast %swap3A_623 : i32 to index
        %swap3A_625 = arith.index_cast %mul3A_622 : i32 to index
        %swap3A_626 = tpu.vector_load %arg11[%swap3A_624, %swap3A_625] {strides = array<i32>} : memref<24x128xf32, #tpu.memory_space<vmem>>, vector<16xf32>,
        tpu.vector_store %arg11[%swap3A_624, %swap3A_625], %scan3A_500#20 {strides = array<i32>} : memref<24x128xf32, #tpu.memory_space<vmem>>, vector<16xf32>,
        %broadcast_in_dim3A_627 = arith.constant 0.000000e+00 : f32
        %broadcast_in_dim3A_628 = vector.broadcast %broadcast_in_dim3A_627 : f32 to vector<16xf32>
        %mul3A_629 = arith.constant 16 : i32
        %mul3A_630 = arith.muli %scan3A_446, %mul3A_629 : i32
        %swap3A_631 = arith.constant 21 : i32
        %swap3A_632 = arith.index_cast %swap3A_631 : i32 to index
        %swap3A_633 = arith.index_cast %mul3A_630 : i32 to index
        %swap3A_634 = tpu.vector_load %arg11[%swap3A_632, %swap3A_633] {strides = array<i32>} : memref<24x128xf32, #tpu.memory_space<vmem>>, vector<16xf32>,
        tpu.vector_store %arg11[%swap3A_632, %swap3A_633], %broadcast_in_dim3A_628 {strides = array<i32>} : memref<24x128xf32, #tpu.memory_space<vmem>>, vector<16xf32>,
        %mul3A_635 = arith.constant 16 : i32
        %mul3A_636 = arith.muli %scan3A_446, %mul3A_635 : i32
        %swap3A_637 = arith.constant 22 : i32
        %swap3A_638 = arith.index_cast %swap3A_637 : i32 to index
        %swap3A_639 = arith.index_cast %mul3A_636 : i32 to index
        %swap3A_640 = tpu.vector_load %arg11[%swap3A_638, %swap3A_639] {strides = array<i32>} : memref<24x128xf32, #tpu.memory_space<vmem>>, vector<16xf32>,
        tpu.vector_store %arg11[%swap3A_638, %swap3A_639], %broadcast_in_dim3A_628 {strides = array<i32>} : memref<24x128xf32, #tpu.memory_space<vmem>>, vector<16xf32>,
        %mul3A_641 = arith.constant 16 : i32
        %mul3A_642 = arith.muli %scan3A_446, %mul3A_641 : i32
        %swap3A_643 = arith.constant 23 : i32
        %swap3A_644 = arith.index_cast %swap3A_643 : i32 to index
        %swap3A_645 = arith.index_cast %mul3A_642 : i32 to index
        %swap3A_646 = tpu.vector_load %arg11[%swap3A_644, %swap3A_645] {strides = array<i32>} : memref<24x128xf32, #tpu.memory_space<vmem>>, vector<16xf32>,
        tpu.vector_store %arg11[%swap3A_644, %swap3A_645], %broadcast_in_dim3A_628 {strides = array<i32>} : memref<24x128xf32, #tpu.memory_space<vmem>>, vector<16xf32>,
        %scan3A_647 = arith.constant 0 : i32
        scf.yield %scan3A_647 : i32
      }
      %scan3A_444 = arith.constant 8 : i32
      "tpu.region"() ({
        %run_scoped3A = tpu.sem_alloc : memref<!tpu.dma_semaphore, #tpu.memory_space<semaphore_mem>>
        %dma_start3A_446 = arith.constant 0 : i32
        %dma_start3A_447 = arith.constant 0 : i32
        %dma_start3A_448 = tpu.memref_slice %arg6[%add3A_11, %dma_start3A_446, %dma_start3A_447] : memref<128x24x128xf32, #tpu.memory_space<hbm>> -> memref<1x24x128xf32, #tpu.memory_space<hbm>>
        %dma_start3A_449 = tpu.memref_squeeze %dma_start3A_448 : memref<1x24x128xf32, #tpu.memory_space<hbm>> -> memref<24x128xf32, #tpu.memory_space<hbm>>
        %dma_start3A_450 = arith.constant 0 : i32
        %dma_start3A_451 = arith.constant 0 : i32
        %dma_start3A_452 = tpu.memref_slice %arg6[%add3A_11, %dma_start3A_450, %dma_start3A_451] : memref<128x24x128xf32, #tpu.memory_space<hbm>> -> memref<1x24x128xf32, #tpu.memory_space<hbm>>
        %dma_start3A_453 = tpu.memref_squeeze %dma_start3A_452 : memref<1x24x128xf32, #tpu.memory_space<hbm>> -> memref<24x128xf32, #tpu.memory_space<hbm>>
        tpu.enqueue_dma source(%arg11 : memref<24x128xf32, #tpu.memory_space<vmem>>) target(%dma_start3A_453 : memref<24x128xf32, #tpu.memory_space<hbm>>) target_semaphore(%run_scoped3A : memref<!tpu.dma_semaphore, #tpu.memory_space<semaphore_mem>>)
        %dma_wait3A_454 = arith.constant 0 : i32
        %dma_wait3A_455 = arith.constant 0 : i32
        %dma_wait3A_456 = tpu.memref_slice %arg6[%add3A_11, %dma_wait3A_454, %dma_wait3A_455] : memref<128x24x128xf32, #tpu.memory_space<hbm>> -> memref<1x24x128xf32, #tpu.memory_space<hbm>>
        %dma_wait3A_457 = tpu.memref_squeeze %dma_wait3A_456 : memref<1x24x128xf32, #tpu.memory_space<hbm>> -> memref<24x128xf32, #tpu.memory_space<hbm>>
        %dma_wait3A_458 = arith.constant 0 : i32
        %dma_wait3A_459 = arith.constant 0 : i32
        %dma_wait3A_460 = tpu.memref_slice %arg6[%add3A_11, %dma_wait3A_458, %dma_wait3A_459] : memref<128x24x128xf32, #tpu.memory_space<hbm>> -> memref<1x24x128xf32, #tpu.memory_space<hbm>>
        %dma_wait3A_461 = tpu.memref_squeeze %dma_wait3A_460 : memref<1x24x128xf32, #tpu.memory_space<hbm>> -> memref<24x128xf32, #tpu.memory_space<hbm>>
        tpu.wait_dma2 semaphore(%run_scoped3A : memref<!tpu.dma_semaphore, #tpu.memory_space<semaphore_mem>>) src(%arg11 : memref<24x128xf32, #tpu.memory_space<vmem>>) dst(%dma_wait3A_461 : memref<24x128xf32, #tpu.memory_space<hbm>>)
        tpu.yield
      }) : () -> ()
      %scan3A_445 = arith.constant 0 : i32
      scf.yield %scan3A_445 : i32
    }
    %scan3A_6 = arith.constant 4 : i32
    return
  }
}

module attributes {stable_mosaic.version = 14 : i64} {
  func.func @_tc_loss_body(%arg0: i32, %arg1: memref<384x128xf32, #tpu.memory_space<vmem>>, %arg2: memref<1x1xf32, #tpu.memory_space<vmem>>) attributes {dimension_semantics = [#tpu.dimension_semantics<arbitrary>], iteration_bounds = array<i64: 8>, scalar_prefetch = 0 : i64, scratch_operands = 0 : i64, tpu.core_type = #tpu.core_type<tc>, window_params = [{transform_indices = @transform_0, window_bounds = array<i64: 384, 128>}, {pipeline_mode = #tpu.pipeline_mode<synchronous>, transform_indices = @transform_1, window_bounds = array<i64: 1, 1>}]} {
    %get3A = arith.constant 0 : index
    %get3A_0 = arith.constant 0 : index
    %get3A_1 = vector.load %arg1[%get3A, %get3A_0] : memref<384x128xf32, #tpu.memory_space<vmem>>, vector<384x128xf32>
    %iota3A = tpu.iota {dimensions = array<i32: 0>} : vector<384x128xi32>
    %jit3A = arith.constant 24 : i32
    %eq3A = arith.constant 0 : i32
    %eq3A_2 = arith.cmpi eq, %jit3A, %eq3A : i32
    %jit3A_3 = arith.constant 1 : i32
    %select_n3A = arith.select %eq3A_2, %jit3A_3, %jit3A : i32
    %rem3A = vector.broadcast %select_n3A : i32 to vector<384x128xi32>
    %rem3A_4 = arith.remsi %iota3A, %rem3A : vector<384x128xi32>
    %ne3A = arith.constant 0 : i32
    %ne3A_5 = vector.broadcast %ne3A : i32 to vector<384x128xi32>
    %ne3A_6 = arith.cmpi ne, %rem3A_4, %ne3A_5 : vector<384x128xi32>
    %lt3A = arith.constant 0 : i32
    %lt3A_7 = vector.broadcast %lt3A : i32 to vector<384x128xi32>
    %lt3A_8 = arith.cmpi slt, %rem3A_4, %lt3A_7 : vector<384x128xi32>
    %lt3A_9 = arith.constant 0 : i32
    %lt3A_10 = arith.cmpi slt, %select_n3A, %lt3A_9 : i32
    %ne3A_11 = vector.broadcast %lt3A_10 : i1 to vector<384x128xi1>
    %ne3A_12 = vector.broadcast %ne3A_11 : vector<384x128xi1> to vector<384x128xi1>
    %ne3A_13 = arith.xori %lt3A_8, %ne3A_12 : vector<384x128xi1>
    %and3A = arith.andi %ne3A_13, %ne3A_6 : vector<384x128xi1>
    %add3A = vector.broadcast %select_n3A : i32 to vector<384x128xi32>
    %add3A_14 = arith.addi %rem3A_4, %add3A : vector<384x128xi32>
    %select_n3A_15 = arith.select %and3A, %add3A_14, %rem3A_4 : vector<384x128xi1>, vector<384x128xi32>
    %eq3A_16 = arith.constant 0 : i32
    %eq3A_17 = vector.broadcast %eq3A_16 : i32 to vector<384x128xi32>
    %eq3A_18 = arith.cmpi eq, %select_n3A_15, %eq3A_17 : vector<384x128xi32>
    %ge3A = arith.constant 1 : i32
    %ge3A_19 = vector.broadcast %ge3A : i32 to vector<384x128xi32>
    %ge3A_20 = arith.cmpi sge, %select_n3A_15, %ge3A_19 : vector<384x128xi32>
    %le3A = arith.constant 20 : i32
    %le3A_21 = vector.broadcast %le3A : i32 to vector<384x128xi32>
    %le3A_22 = arith.cmpi sle, %select_n3A_15, %le3A_21 : vector<384x128xi32>
    %and3A_23 = arith.andi %ge3A_20, %le3A_22 : vector<384x128xi1>
    %neg3A = arith.constant 0.000000e+00 : f32
    %neg3A_24 = vector.broadcast %neg3A : f32 to vector<384x128xf32>
    %neg3A_25 = arith.subf %neg3A_24, %get3A_1 : vector<384x128xf32>
    %select_n3A_26 = arith.select %eq3A_18, %get3A_1, %neg3A_25 : vector<384x128xi1>, vector<384x128xf32>
    %neg3A_27 = arith.constant 0.000000e+00 : f32
    %neg3A_28 = vector.broadcast %neg3A_27 : f32 to vector<384x128xf32>
    %neg3A_29 = arith.subf %neg3A_28, %select_n3A_26 : vector<384x128xf32>
    %custom_jvp_call3A = arith.constant 0.000000e+00 : f32
    %max3A = vector.broadcast %custom_jvp_call3A : f32 to vector<384x128xf32>
    %max3A_30 = arith.maximumf %neg3A_29, %max3A : vector<384x128xf32>
    %sub3A = vector.broadcast %custom_jvp_call3A : f32 to vector<384x128xf32>
    %sub3A_31 = arith.subf %neg3A_29, %sub3A : vector<384x128xf32>
    %ne3A_32 = arith.cmpf one, %sub3A_31, %sub3A_31 : vector<384x128xf32>
    %add3A_33 = vector.broadcast %custom_jvp_call3A : f32 to vector<384x128xf32>
    %add3A_34 = arith.addf %neg3A_29, %add3A_33 : vector<384x128xf32>
    %abs3A = math.absf %sub3A_31 : vector<384x128xf32>
    %neg3A_35 = arith.constant 0.000000e+00 : f32
    %neg3A_36 = vector.broadcast %neg3A_35 : f32 to vector<384x128xf32>
    %neg3A_37 = arith.subf %neg3A_36, %abs3A : vector<384x128xf32>
    %exp3A = math.exp %neg3A_37 : vector<384x128xf32>
    %log1p3A = math.log1p %exp3A : vector<384x128xf32>
    %add3A_38 = arith.addf %max3A_30, %log1p3A : vector<384x128xf32>
    %select_n3A_39 = arith.select %ne3A_32, %add3A_34, %add3A_38 : vector<384x128xi1>, vector<384x128xf32>
    %neg3A_40 = arith.constant 0.000000e+00 : f32
    %neg3A_41 = vector.broadcast %neg3A_40 : f32 to vector<384x128xf32>
    %neg3A_42 = arith.subf %neg3A_41, %select_n3A_39 : vector<384x128xf32>
    %or3A = arith.ori %eq3A_18, %and3A_23 : vector<384x128xi1>
    %jit3A_43 = arith.constant 0.000000e+00 : f32
    %broadcast_in_dim3A = vector.broadcast %jit3A_43 : f32 to vector<384x128xf32>
    %select_n3A_44 = arith.select %or3A, %neg3A_42, %broadcast_in_dim3A : vector<384x128xi1>, vector<384x128xf32>
    %reduce_sum3A = vector.shape_cast %select_n3A_44 : vector<384x128xf32> to vector<1x384x128xf32>
    %reduce_sum3A_45 = arith.constant dense<0.000000e+00> : vector<1xf32>
    %reduce_sum3A_46 = vector.multi_reduction <add>, %reduce_sum3A, %reduce_sum3A_45 [1, 2] : vector<1x384x128xf32> to vector<1xf32>
    %reduce_sum3A_47 = vector.shape_cast %reduce_sum3A_46 : vector<1xf32> to vector<1x1x1xf32>
    %reduce_sum3A_48 = vector.extract %reduce_sum3A_47[0, 0, 0] : f32 from vector<1x1x1xf32>
    %mul3A = arith.constant -6.10351563E-5 : f32
    %mul3A_49 = arith.mulf %reduce_sum3A_48, %mul3A : f32
    %eq3A_50 = arith.constant 0 : i32
    %eq3A_51 = arith.cmpi eq, %arg0, %eq3A_50 : i32
    %convert_element_type3A = arith.extui %eq3A_51 : i1 to i32
    %cond3A = arith.constant 0 : i32
    %cond3A_52 = arith.cmpi ne, %convert_element_type3A, %cond3A : i32
    scf.if %cond3A_52 {
      %broadcast_in_dim3A_59 = arith.constant 0.000000e+00 : f32
      %broadcast_in_dim3A_60 = vector.broadcast %broadcast_in_dim3A_59 : f32 to vector<1x1xf32>
      %swap3A_61 = arith.constant 0 : index
      %swap3A_62 = arith.constant 0 : index
      %swap3A_63 = vector.load %arg2[%swap3A_61, %swap3A_62] : memref<1x1xf32, #tpu.memory_space<vmem>>, vector<1x1xf32>
      tpu.vector_store %arg2[%swap3A_61, %swap3A_62], %broadcast_in_dim3A_60 {strides = array<i32>} : memref<1x1xf32, #tpu.memory_space<vmem>>, vector<1x1xf32>,
    } else {
    }
    %get3A_53 = arith.constant 0 : index
    %get3A_54 = arith.constant 0 : index
    %get3A_55 = vector.load %arg2[%get3A_53, %get3A_54] : memref<1x1xf32, #tpu.memory_space<vmem>>, vector<1x1xf32>
    %reshape3A = vector.broadcast %mul3A_49 : f32 to vector<1x1xf32>
    %add3A_56 = arith.addf %get3A_55, %reshape3A : vector<1x1xf32>
    %swap3A = arith.constant 0 : index
    %swap3A_57 = arith.constant 0 : index
    %swap3A_58 = vector.load %arg2[%swap3A, %swap3A_57] : memref<1x1xf32, #tpu.memory_space<vmem>>, vector<1x1xf32>
    tpu.vector_store %arg2[%swap3A, %swap3A_57], %add3A_56 {strides = array<i32>} : memref<1x1xf32, #tpu.memory_space<vmem>>, vector<1x1xf32>,
    return
  }
  func.func @transform_0(%arg0: i32) -> (i32, i32) {
    %c0_i32 = arith.constant 0 : i32
    %c0_i32_0 = arith.constant 0 : i32
    return %arg0, %c0_i32 : i32, i32
  }
  func.func @transform_1(%arg0: i32) -> (i32, i32) {
    %c0_i32 = arith.constant 0 : i32
    %c0_i32_0 = arith.constant 0 : i32
    %c0_i32_1 = arith.constant 0 : i32
    return %c0_i32, %c0_i32_0 : i32, i32
  }
}

</mosaic_0001>

<sc_bundles>
// kernel: kernel.4.cloned.1.call-start
scs
__scs_entry_jumppad:
0x0: {  	(pc) =	sbr.rel $0x88, $3  }
0x1: {  	(tag) =	ssettag $0x0;
	lr =	simm.s32 $0x1  }
0x2: {  	[smem:$0x3F9C] =	sst lr;
	_ =	strace $0xD0000000  }
0x3: {  	_ = 	snop  }
0x4: {  	_ = 	snop  }
0x5: {  	_ = 	snop  }
0x6: {  	_ = 	snop  }
0x7: {  	_ = 	snop  }
__scs_overlays_trampoline_lowered:
0x8: {  	[smem:$0x3FAB] =	sst s0  }
0x9: {  	[smem:$0x3FAC] =	sst s1  }
0xa: {  	[smem:$0x3FAD] =	sst s2  }
0xb: {  	[smem:$0x3FAE] =	sst s3  }
0xc: {  	[smem:$0x3FAF] =	sst s4  }
0xd: {  	[smem:$0x3FB0] =	sst s5  }
0xe: {  	[smem:$0x3FB1] =	sst s6  }
0xf: {  	[smem:$0x3FB2] =	sst s7  }
0x10: {  	[smem:$0x3FB3] =	sst s8  }
0x11: {  	[smem:$0x3FB4] =	sst s9;
	s0 =	simm.s32 @!p0 $0x0  }
0x12: {  	s1 =	sld [smem:$0x3F9A];
	s0 =	simm.s32 @p0 $0x1  }
0x13: {  	[smem:$0x3FB5] =	sst s0;
	s0 =	simm.s32 @!p1 $0x0  }
0x14: {  	s2 =	sld [smem:$0x3F99];
	s0 =	simm.s32 @p1 $0x1  }
0x15: {  	[smem:$0x3FB6] =	sst s0;
	s0 =	simm.s32 @!p2 $0x0  }
0x16: {  	s3 =	sld [smem:$0x3FDB];
	s0 =	simm.s32 @p2 $0x1  }
0x17: {  	s4 =	simm.s32 $0x1BF5;
	[smem:$0x3FB8] =	sst s0  }
0x18: {  	s0 =	sld [smem:$0x3F9B];
	_ =	swait.ge [sflag:s4], $0x0  }
0x19: {  	s7 =	sld [smem:$0x3F9C]  }
0x1a: {  	s8 =	sadd.s32 $0xFFFFE003, lr  }
0x1b: {  	s9 =	sadd.s32 $0xFFFFFEF7, lr;
	s5 =	simm.s32 $0xFFFFFFFF;
	p2 =	slt.u32 s8, $0xFFFFF086  }
0x1c: {  	p1 =	slt.u32 s9, $0xF7A;
	s5 =	simm.s32 @!p2 $0x0  }
0x1d: {  	s5 =	simm.s32 @p1 $0x1;
	p0 =	seq.s32 s7, s2  }
0x1e: {  	s7 =	smul.u32 @!p0 $0xF7A, s2;
	p2 =	seq.s32 @!p0 s5, $0x0  }
0x1f: {  	s9 =	smul.u32 $0xF7A, s1;
	s8 =	simm.s32 @!p0 $0x1BF5;
	p2 =	por !p2, p0  }
0x20: {  	[sflag:s8] =	ssyncset.s32 @!p0 $0xFFFFF086;
	s6 =	sadd.s32 @!p0 s3, s7;
	s7 =	simm.s32 @!p0 $0x108  }
0x21: {  	s3 =	sadd.s32 s3, s9;
	s6 =	sadd.s32 @!p0 $0x88, s6;
	s7 =	simm.s32 @p2 $0x1082  }
0x22: {  	[simem:s7], [sflag:s8] =	dma.local @!p0 [hbm:s6], $0xF7A  }
0x23: {  	s9 =	sor.u32 $0xD0000000, s2;
	s6 =	simm.s32 $0x108;
	_ =	swait.ge @!p0 [sflag:s8], $0x0  }
0x24: {  	s3 =	sadd.s32 $0x88, s3;
	s6 =	simm.s32 @!p1 $0x1082;
	[sflag:s4] =	ssyncset.s32 $0xFFFFF086  }
0x25: {  	[simem:s6], [sflag:s4] =	dma.local [hbm:s3], $0xF7A  }
0x26: {  	[smem:$0x3F9C] =	sst s1;
	(tag) =	ssettag s2;
	_ =	strace s9  }
0x27: {  	s1 =	sld [smem:$0x3FAC]  }
0x28: {  	s2 =	sld [smem:$0x3FAD]  }
0x29: {  	s4 =	sld [smem:$0x3FAF]  }
0x2a: {  	p0 =	seq.s32 s5, $0x0;
	s5 =	sld [smem:$0x3FB0]  }
0x2b: {  	s6 =	sld [smem:$0x3FB1]  }
0x2c: {  	s7 =	sld [smem:$0x3FB2]  }
0x2d: {  	s3 =	simm.s32 $0x108;
	s8 =	sld [smem:$0x3FB3]  }
0x2e: {  	s3 =	simm.s32 @!p0 $0x1082;
	s9 =	sld [smem:$0x3FB4]  }
0x2f: {  	lr =	sadd.s32 s0, s3;
	s0 =	sld [smem:$0x3FAB]  }
0x30: {  	s3 =	sld [smem:$0x3FAE]  }
0x31: {  	[smem:$0x3FB7] =	sst s10  }
0x32: {  	s10 =	sld [smem:$0x3FB5];
	_ =	sdelay $0x3  }
0x33: {  	p0 =	seq.s32 s10, $0x1;
	s10 =	sld [smem:$0x3FB7];
	_ =	sdelay $0x3  }
0x34: {  	[smem:$0x3FB7] =	sst s10  }
0x35: {  	s10 =	sld [smem:$0x3FB6];
	_ =	sdelay $0x3  }
0x36: {  	p1 =	seq.s32 s10, $0x1;
	s10 =	sld [smem:$0x3FB7];
	_ =	sdelay $0x3  }
0x37: {  	[smem:$0x3FB7] =	sst s10  }
0x38: {  	s10 =	sld [smem:$0x3FB8]  }
0x39: {  	_ = 	snop;
	(pc) =	sbr.ind lr, $3  }
0x3a: {  	_ = 	snop  }
0x3b: {  	_ = 	snop  }
0x3c: {  	p2 =	seq.s32 s10, $0x1;
	s10 =	sld [smem:$0x3FB7]  }
0x3d: {  	_ =	shalt  }
0x3e: {  	_ =	shalt  }
0x3f: {  	_ =	shalt  }
0x40: {  	_ =	shalt  }
0x41: {  	_ =	shalt  }
0x42: {  	_ =	shalt  }
0x43: {  	_ =	shalt  }
0x44: {  	_ =	shalt  }
0x45: {  	_ =	shalt  }
0x46: {  	_ =	shalt  }
0x47: {  	_ =	shalt  }
0x48: {  	_ =	shalt  }
0x49: {  	_ =	shalt  }
0x4a: {  	_ =	shalt  }
0x4b: {  	_ =	shalt  }
0x4c: {  	_ =	shalt  }
0x4d: {  	_ =	shalt  }
0x4e: {  	_ =	shalt  }
0x4f: {  	_ =	shalt  }
0x50: {  	_ =	shalt  }
0x51: {  	_ =	shalt  }
0x52: {  	_ =	shalt  }
0x53: {  	_ =	shalt  }
0x54: {  	_ =	shalt  }
0x55: {  	_ =	shalt  }
0x56: {  	_ =	shalt  }
0x57: {  	_ =	shalt  }
0x58: {  	_ =	shalt  }
0x59: {  	_ =	shalt  }
0x5a: {  	_ =	shalt  }
0x5b: {  	_ =	shalt  }
0x5c: {  	_ =	shalt  }
0x5d: {  	_ =	shalt  }
0x5e: {  	_ =	shalt  }
0x5f: {  	_ =	shalt  }
0x60: {  	_ =	shalt  }
0x61: {  	_ =	shalt  }
0x62: {  	_ =	shalt  }
0x63: {  	_ =	shalt  }
0x64: {  	_ =	shalt  }
0x65: {  	_ =	shalt  }
0x66: {  	_ =	shalt  }
0x67: {  	_ =	shalt  }
0x68: {  	_ =	shalt  }
0x69: {  	_ =	shalt  }
0x6a: {  	_ =	shalt  }
0x6b: {  	_ =	shalt  }
0x6c: {  	_ =	shalt  }
0x6d: {  	_ =	shalt  }
0x6e: {  	_ =	shalt  }
0x6f: {  	_ =	shalt  }
0x70: {  	_ =	shalt  }
0x71: {  	_ =	shalt  }
0x72: {  	_ =	shalt  }
0x73: {  	_ =	shalt  }
0x74: {  	_ =	shalt  }
0x75: {  	_ =	shalt  }
0x76: {  	_ =	shalt  }
0x77: {  	_ =	shalt  }
0x78: {  	_ =	shalt  }
0x79: {  	_ =	shalt  }
0x7a: {  	_ =	shalt  }
0x7b: {  	_ =	shalt  }
0x7c: {  	_ =	shalt  }
0x7d: {  	_ =	shalt  }
0x7e: {  	_ =	shalt  }
0x7f: {  	_ =	shalt  }
0x80: {  	_ =	shalt  }
0x81: {  	_ =	shalt  }
0x82: {  	_ =	shalt  }
0x83: {  	_ =	shalt  }
0x84: {  	_ =	shalt  }
0x85: {  	_ =	shalt  }
0x86: {  	_ =	shalt  }
0x87: {  	_ =	shalt  }
.Lfunc_end0:
.L_simem_size_0:
called_computation_lowered:
.L_overlay_start_0:
0x88: {  	s2 =	sld [smem:$0x3FD9]  }
0x89: {  	s3 =	sld [smem:$0x3FFE];
	_ =	sdelay $0x1  }
0x8a: {  	s1 =	srdreg.scid  }
0x8b: {  	s0 =	sand.u32 $0x1, s1  }
0x8c: {  	s17 =	sshll.u32 s0, $0xA;
	s2 =	sadd.s32 s3, s2  }
0x8d: {  	s2 =	sadd.s32 s2, s17  }
0x8e: {  	[smem:$0x3FC3] =	sst s2  }
0x8f: {  	_ = 	snop  }
0x90: {  	s2 =	sld [smem:$0x3FC9];
	(tm) =	ssettm $0x1  }
0x91: {  	s18 =	sld [smem:$0x3FFB];
	_ =	sdelay $0x3  }
0x92: {  	_ =	strace s18  }
0x93: {  	s3 =	sld [smem:$0x3FFC];
	_ =	sdelay $0x3  }
0x94: {  	_ =	strace s3  }
0x95: {  	s3 =	sld [smem:$0x3FFD];
	_ =	sdelay $0x3  }
0x96: {  	_ =	strace s3  }
0x97: {  	_ =	strace $0x8FFFFFFF  }
0x98: {  	s19 =	sld [smem:$0x3FDB];
	_ =	sdelay $0x1  }
0x99: {  	s4 =	simm.s32 $_scs_section_size  }
0x9a: {  	s5 =	simm.s32 $_size__tile_overlayer_lowered;
	s6 =	simm.s32 $_tile_overlayer_lowered  }
0x9b: {  	s22 =	simm.s32 $0x1BFF;
	s21 =	sshll.u32 s6, $0x1;
	s3 =	sadd.s32 s4, s19  }
0x9c: {  	s7 =	simm.s32 $0x0;
	s20 =	sshll.u32 s5, $0x1;
	s5 =	sadd.s32 s21, s3  }
0x9d: {  	[timem:s7], [sflag:s22] =	dma.local [hbm:s5], s20  }
0x9e: {  	_ =	swait.ge [sflag:s22], s20  }
0x9f: {  	s4 =	ssub.s32 $0x0, s20;
	[sflag:s22] =	ssyncset.done $0x0  }
0xa0: {  	[sflag:s22] =	ssyncadd.s32 s4;
	_ =	sdelay $0x1  }
0xa1: {  	s23 =	simm.s32 $0x1B8B  }
0xa2: {  	_ =	swait.ge [sflag:s23], $0x1  }
0xa3: {  	[sflag:s23] =	ssyncset.done $0x0  }
0xa4: {  	s25 =	simm.s32 $0x1B8E;
	s24 =	sld [smem:$0x3FFE];
	[sflag:s23] =	ssyncadd.s32 $0xFFFFFFFF  }
0xa5: {  	s26 =	simm.s32 $execute0_lowered;
	[smem:$0x3FD2] =	sst s25  }
0xa6: {  	s5 =	sshll.u32 s26, $0x1;
	_ =	strace $0x80000046;
	[dreg:$0x1] =	wrdreg $0xFFFFFFFF  }
0xa7: {  	s28 =	simm.s32 $_size_execute0_lowered;
	s3 =	sadd.s32 s3, s5;
	[dreg:$0x0] =	wrdreg $0x0  }
0xa8: {  	s5 =	sshll.u32 s28, $0x1;
	[dreg:$0x2] =	wrdreg s3  }
0xa9: {  	[dreg:$0x3] =	wrdreg s5  }
0xaa: {  	[dreg:$0x4] =	wrdreg $0xC0  }
0xab: {  	_ =	task [dreg:s7], $0x5FFFF  }
0xac: {  	[dreg:$0x1] =	wrdreg $0xFFFFFFFF  }
0xad: {  	[dreg:$0x0] =	wrdreg $0x60  }
0xae: {  	[dreg:$0x2] =	wrdreg s2  }
0xaf: {  	[dreg:$0x3] =	wrdreg s24  }
0xb0: {  	[dreg:$0x4] =	wrdreg $0x9  }
0xb1: {  	_ =	task.clear_ibuf [dreg:s7], $0x5FFFF;
	_ =	strace $0x90000046  }
0xb2: {  	s29 =	simm.s32 $0x9;
	_ =	strace $0x80000048  }
0xb3: {  	_ =	swait.ge [sflag:s29], $0x1  }
0xb4: {  	[sflag:s29] =	ssyncadd.s32 $0xFFFFFFFF  }
0xb5: {  	_ =	strace $0x90000048  }
0xb6: {  	_ =	sfence  }
0xb7: {  	s30 =	sld [smem:$0x0];
	_ =	sdelay $0x2  }
0xb8: {  	s31 =	sshll.u32 s1, $0xD;
	s1 =	sshrl.u32 s1, $0x2  }
0xb9: {  	s3 =	sand.u32 $0x4000, s31;
	s1 =	sadd.s32 s1, s30  }
0xba: {  	s0 =	sor.u32 s3, s0;
	s1 =	sshll.u32 s1, $0x11  }
0xbb: {  	s0 =	sor.u32 s1, s0  }
0xbc: {  	s0 =	sadd.s32 $0x8F2B, s0  }
0xbd: {  	[sflag:s0] =	ssyncadd.remote.s32 $0x1  }
0xbe: {  	_ =	sfence.sel $0xFFFF  }
0xbf: {  	[dreg:$0x0] =	wrdreg $0xFFFFFFFF;
	(pc) =	sbr.abs _section_cstart, $3  }
0xc0: {  	[dreg:$0x1] =	wrdreg $0xFFFFFFFF  }
0xc1: {  	_ =	task.clear_ibuf [dreg:s7], $0x2FFFF;
	_ =	strace $0x9FFFFFFF  }
0xc2: {  	(tm) =	ssettm $0x7FFFFFFF  }
0xc3: {  	_ =	shalt  }
tec
execute0_lowered:
.L_overlay_start_1:
0x0: {  	(tag) =	ssettag $0x1  }
0x1: {  	s0 =	rddreg [dreg:$0x1]  }
0x2: {  	s1 =	simm.s32 $0x0;
	s25 =	srdreg.scid;
	s7 =	stileid.u32  }
0x3: {  	s10 =	simm.s32 $0x2;
	s11 =	simm.s32 $0x80;
	s12 =	simm.s32 $0xC80  }
0x4: {  	s13 =	simm.s32 $0x1C80;
	s18 =	simm.s32 $0x780;
	s19 =	simm.s32 $0xFC80  }
0x5: {  	s20 =	simm.s32 $0x800;
	s21 =	simm.s32 $0x10C80;
	s22 =	simm.s32 $0x880  }
0x6: {  	s23 =	simm.s32 $0x11C80;
	s24 =	simm.s32 $0x900;
	s28 =	simm.s32 $0x13C80  }
0x7: {  	s29 =	simm.s32 $0xA00;
	s30 =	simm.s32 $0x14C80;
	s31 =	simm.s32 $0xA80  }
0x8: {  	s9 =	simm.s32 $0x16C80;
	[smem:$0x7FF] =	sst s1;
	s4 =	sadd.s32 $0xA00, s0  }
0x9: {  	s5 =	sadd.s32 $0x1313800, s0;
	s1 =	sand.u32 $0x1, s25;
	s6 =	sadd.s32 $0xF42E00, s0  }
0xa: {  	s8 =	sshll.u32 s7, $0x3;
	s7 =	sadd.s32 $0xCA00, s0;
	s2 =	ssub.s32 $0x2, s1  }
0xb: {  	s25 =	simm.s32 $0x12C80;
	s1 =	sshll.u32 s1, $0x2;
	s3 =	sshrl.u32 s2, $0x1  }
0xc: {  	_ =	strace $0x80000047;
	s8 =	sor.u32 s1, s8;
	s26 =	ssub.s32 s2, s3  }
0xd: {  	s3 =	simm.s32 $0x1;
	s2 =	simm.s32 $0x0;
	s0 =	smax.u32 s26, $0x1  }
0xe: {  	v62 =	vlaneseq.u32;
	s26 =	simm.s32 $0x980;
	[dreg:$0x3] =	wrdreg s0;
	s0 =	simm.s32 $0x15C80  }
.LBB2_1:
0xf: {  	[dreg:$0x4] =	wrdreg s2;
	s1 =	simm.s32 $0x0  }
.LBB2_2:
0x10: {  	s14 =	sadd.s32 s8, s1  }
0x11: {  	s15 =	rddreg [dreg:$0x0];
	s2 =	sshll.u32 s14, $0x4  }
0x12: {  	s15 =	sadd.s32 s15, s2;
	s2 =	simm.s32 $0x0  }
0x13: {  	[tilespmem:s2], [sflag:$0x2] =	stream.linear.gather [hbm4b:s15+s2], $0x80, $0x38;
	[tilespmem:$0x17880] =	vst v63  }
0x14: {  	s14 =	smul.u32 $0x180, s14;
	_ =	swait.ge [sflag:s10], $0x80  }
0x15: {  	[sflag:s10] =	ssyncset.done $0x0  }
0x16: {  	s16 =	sadd.s32 s4, s14;
	[sflag:s10] =	ssyncadd.s32 $0xFFFFFF80  }
0x17: {  	[tilespmem:s11], [sflag:$0x2] =	stream.linear.gather [hbm4b:s16+s2], $0xC00, $0x38;
	[tilespmem:$0x17880] =	vst v63  }
0x18: {  	_ =	swait.ge [sflag:s10], $0xC00  }
0x19: {  	[sflag:s10] =	ssyncset.done $0x0  }
0x1a: {  	[sflag:s10] =	ssyncadd.s32 $0xFFFFF400  }
0x1b: {  	[tilespmem:s12], [sflag:$0x1] =	stream.indirect.gather [hbm4b:s5+s11], $0x20, s2, s11, $0xb8;
	[tilespmem:$0x17880] =	vst v63  }
0x1c: {  	_ = 	snop  }
0x1d: {  	[tilespmem:s13], [sflag:$0x1] =	stream.indirect.gather [hbm4b:s6+s11], $0x20, s11, s11, $0xb8;
	[tilespmem:$0x17880] =	vst v63  }
0x1e: {  	s17 =	simm.s32 $0x100;
	s16 =	simm.s32 $0x2C80  }
0x1f: {  	[tilespmem:s16], [sflag:$0x1] =	stream.indirect.gather [hbm4b:s6+s11], $0x20, s17, s11, $0xb8;
	[tilespmem:$0x17880] =	vst v63  }
0x20: {  	s16 =	simm.s32 $0x180;
	s17 =	simm.s32 $0x3C80  }
0x21: {  	[tilespmem:s17], [sflag:$0x1] =	stream.indirect.gather [hbm4b:s6+s11], $0x20, s16, s11, $0xb8;
	[tilespmem:$0x17880] =	vst v63  }
0x22: {  	s16 =	simm.s32 $0x200;
	s17 =	simm.s32 $0x4C80  }
0x23: {  	[tilespmem:s17], [sflag:$0x1] =	stream.indirect.gather [hbm4b:s6+s11], $0x20, s16, s11, $0xb8;
	[tilespmem:$0x17880] =	vst v63  }
0x24: {  	s16 =	simm.s32 $0x280;
	s17 =	simm.s32 $0x5C80  }
0x25: {  	[tilespmem:s17], [sflag:$0x1] =	stream.indirect.gather [hbm4b:s6+s11], $0x20, s16, s11, $0xb8;
	[tilespmem:$0x17880] =	vst v63  }
0x26: {  	s16 =	simm.s32 $0x300;
	s17 =	simm.s32 $0x6C80  }
0x27: {  	[tilespmem:s17], [sflag:$0x1] =	stream.indirect.gather [hbm4b:s6+s11], $0x20, s16, s11, $0xb8;
	[tilespmem:$0x17880] =	vst v63  }
0x28: {  	s16 =	simm.s32 $0x380;
	s17 =	simm.s32 $0x7C80  }
0x29: {  	[tilespmem:s17], [sflag:$0x1] =	stream.indirect.gather [hbm4b:s6+s11], $0x20, s16, s11, $0xb8;
	[tilespmem:$0x17880] =	vst v63  }
0x2a: {  	s16 =	simm.s32 $0x400;
	s17 =	simm.s32 $0x8C80  }
0x2b: {  	[tilespmem:s17], [sflag:$0x1] =	stream.indirect.gather [hbm4b:s6+s11], $0x20, s16, s11, $0xb8;
	[tilespmem:$0x17880] =	vst v63  }
0x2c: {  	s16 =	simm.s32 $0x480;
	s17 =	simm.s32 $0x9C80  }
0x2d: {  	[tilespmem:s17], [sflag:$0x1] =	stream.indirect.gather [hbm4b:s6+s11], $0x20, s16, s11, $0xb8;
	[tilespmem:$0x17880] =	vst v63  }
0x2e: {  	s16 =	simm.s32 $0x500;
	s17 =	simm.s32 $0xAC80  }
0x2f: {  	[tilespmem:s17], [sflag:$0x1] =	stream.indirect.gather [hbm4b:s6+s11], $0x20, s16, s11, $0xb8;
	[tilespmem:$0x17880] =	vst v63  }
0x30: {  	s16 =	simm.s32 $0x580;
	s17 =	simm.s32 $0xBC80  }
0x31: {  	[tilespmem:s17], [sflag:$0x1] =	stream.indirect.gather [hbm4b:s6+s11], $0x20, s16, s11, $0xb8;
	[tilespmem:$0x17880] =	vst v63  }
0x32: {  	s16 =	simm.s32 $0x600;
	s17 =	simm.s32 $0xCC80  }
0x33: {  	[tilespmem:s17], [sflag:$0x1] =	stream.indirect.gather [hbm4b:s6+s11], $0x20, s16, s11, $0xb8;
	[tilespmem:$0x17880] =	vst v63  }
0x34: {  	s16 =	simm.s32 $0x680;
	s17 =	simm.s32 $0xDC80  }
0x35: {  	[tilespmem:s17], [sflag:$0x1] =	stream.indirect.gather [hbm4b:s6+s11], $0x20, s16, s11, $0xb8;
	[tilespmem:$0x17880] =	vst v63  }
0x36: {  	s16 =	simm.s32 $0x700;
	s17 =	simm.s32 $0xEC80  }
0x37: {  	[tilespmem:s17], [sflag:$0x1] =	stream.indirect.gather [hbm4b:s6+s11], $0x20, s16, s11, $0xb8;
	[tilespmem:$0x17880] =	vst v63  }
0x38: {  	_ = 	snop  }
0x39: {  	[tilespmem:s19], [sflag:$0x1] =	stream.indirect.gather [hbm4b:s6+s11], $0x20, s18, s11, $0xb8;
	[tilespmem:$0x17880] =	vst v63  }
0x3a: {  	_ = 	snop  }
0x3b: {  	[tilespmem:s21], [sflag:$0x1] =	stream.indirect.gather [hbm4b:s6+s11], $0x20, s20, s11, $0xb8;
	[tilespmem:$0x17880] =	vst v63  }
0x3c: {  	_ = 	snop  }
0x3d: {  	[tilespmem:s23], [sflag:$0x1] =	stream.indirect.gather [hbm4b:s6+s11], $0x20, s22, s11, $0xb8;
	[tilespmem:$0x17880] =	vst v63  }
0x3e: {  	_ = 	snop  }
0x3f: {  	[tilespmem:s25], [sflag:$0x1] =	stream.indirect.gather [hbm4b:s6+s11], $0x20, s24, s11, $0xb8;
	[tilespmem:$0x17880] =	vst v63  }
0x40: {  	_ = 	snop  }
0x41: {  	[tilespmem:s28], [sflag:$0x1] =	stream.indirect.gather [hbm4b:s6+s11], $0x20, s26, s11, $0xb8;
	[tilespmem:$0x17880] =	vst v63  }
0x42: {  	_ = 	snop  }
0x43: {  	[tilespmem:s30], [sflag:$0x1] =	stream.indirect.gather [hbm4b:s6+s11], $0x20, s29, s11, $0xb8;
	[tilespmem:$0x17880] =	vst v63  }
0x44: {  	_ = 	snop  }
0x45: {  	[tilespmem:s0], [sflag:$0x1] =	stream.indirect.gather [hbm4b:s6+s11], $0x20, s31, s11, $0xb8;
	[tilespmem:$0x17880] =	vst v63  }
0x46: {  	_ =	swait.ge [sflag:s3], $0x1000  }
0x47: {  	[sflag:s3] =	ssyncset.done $0x0  }
0x48: {  	[sflag:s3] =	ssyncadd.s32 $0xFFFFF000  }
0x49: {  	_ =	swait.ge [sflag:s3], $0x1000  }
0x4a: {  	[sflag:s3] =	ssyncset.done $0x0  }
0x4b: {  	[sflag:s3] =	ssyncadd.s32 $0xFFFFF000  }
0x4c: {  	_ =	swait.ge [sflag:s3], $0x1000  }
0x4d: {  	[sflag:s3] =	ssyncset.done $0x0  }
0x4e: {  	[sflag:s3] =	ssyncadd.s32 $0xFFFFF000  }
0x4f: {  	_ =	swait.ge [sflag:s3], $0x1000  }
0x50: {  	[sflag:s3] =	ssyncset.done $0x0  }
0x51: {  	[sflag:s3] =	ssyncadd.s32 $0xFFFFF000  }
0x52: {  	_ =	swait.ge [sflag:s3], $0x1000  }
0x53: {  	[sflag:s3] =	ssyncset.done $0x0  }
0x54: {  	[sflag:s3] =	ssyncadd.s32 $0xFFFFF000  }
0x55: {  	_ =	swait.ge [sflag:s3], $0x1000  }
0x56: {  	[sflag:s3] =	ssyncset.done $0x0  }
0x57: {  	[sflag:s3] =	ssyncadd.s32 $0xFFFFF000  }
0x58: {  	_ =	swait.ge [sflag:s3], $0x1000  }
0x59: {  	[sflag:s3] =	ssyncset.done $0x0  }
0x5a: {  	[sflag:s3] =	ssyncadd.s32 $0xFFFFF000  }
0x5b: {  	_ =	swait.ge [sflag:s3], $0x1000  }
0x5c: {  	[sflag:s3] =	ssyncset.done $0x0  }
0x5d: {  	[sflag:s3] =	ssyncadd.s32 $0xFFFFF000  }
0x5e: {  	_ =	swait.ge [sflag:s3], $0x1000  }
0x5f: {  	[sflag:s3] =	ssyncset.done $0x0  }
0x60: {  	[sflag:s3] =	ssyncadd.s32 $0xFFFFF000  }
0x61: {  	_ =	swait.ge [sflag:s3], $0x1000  }
0x62: {  	[sflag:s3] =	ssyncset.done $0x0  }
0x63: {  	[sflag:s3] =	ssyncadd.s32 $0xFFFFF000  }
0x64: {  	_ =	swait.ge [sflag:s3], $0x1000  }
0x65: {  	[sflag:s3] =	ssyncset.done $0x0  }
0x66: {  	[sflag:s3] =	ssyncadd.s32 $0xFFFFF000  }
0x67: {  	_ =	swait.ge [sflag:s3], $0x1000  }
0x68: {  	[sflag:s3] =	ssyncset.done $0x0  }
0x69: {  	[sflag:s3] =	ssyncadd.s32 $0xFFFFF000  }
0x6a: {  	_ =	swait.ge [sflag:s3], $0x1000  }
0x6b: {  	[sflag:s3] =	ssyncset.done $0x0  }
0x6c: {  	[sflag:s3] =	ssyncadd.s32 $0xFFFFF000  }
0x6d: {  	_ =	swait.ge [sflag:s3], $0x1000  }
0x6e: {  	[sflag:s3] =	ssyncset.done $0x0  }
0x6f: {  	[sflag:s3] =	ssyncadd.s32 $0xFFFFF000  }
0x70: {  	_ =	swait.ge [sflag:s3], $0x1000  }
0x71: {  	[sflag:s3] =	ssyncset.done $0x0  }
0x72: {  	[sflag:s3] =	ssyncadd.s32 $0xFFFFF000  }
0x73: {  	_ =	swait.ge [sflag:s3], $0x1000  }
0x74: {  	[sflag:s3] =	ssyncset.done $0x0  }
0x75: {  	[sflag:s3] =	ssyncadd.s32 $0xFFFFF000  }
0x76: {  	_ =	swait.ge [sflag:s3], $0x1000  }
0x77: {  	[sflag:s3] =	ssyncset.done $0x0  }
0x78: {  	[sflag:s3] =	ssyncadd.s32 $0xFFFFF000  }
0x79: {  	_ =	swait.ge [sflag:s3], $0x1000  }
0x7a: {  	[sflag:s3] =	ssyncset.done $0x0  }
0x7b: {  	[sflag:s3] =	ssyncadd.s32 $0xFFFFF000  }
0x7c: {  	_ =	swait.ge [sflag:s3], $0x1000  }
0x7d: {  	[sflag:s3] =	ssyncset.done $0x0  }
0x7e: {  	[sflag:s3] =	ssyncadd.s32 $0xFFFFF000  }
0x7f: {  	_ =	swait.ge [sflag:s3], $0x1000  }
0x80: {  	[sflag:s3] =	ssyncset.done $0x0  }
0x81: {  	[sflag:s3] =	ssyncadd.s32 $0xFFFFF000  }
0x82: {  	_ =	swait.ge [sflag:s3], $0x1000  }
0x83: {  	[sflag:s3] =	ssyncset.done $0x0  }
0x84: {  	[sflag:s3] =	ssyncadd.s32 $0xFFFFF000  }
0x85: {  	_ =	swait.ge [sflag:s3], $0x1000  }
0x86: {  	[sflag:s3] =	ssyncset.done $0x0  }
0x87: {  	s15 =	simm.s32 $0x0;
	[sflag:s3] =	ssyncadd.s32 $0xFFFFF000  }
.LBB2_3:
0x88: {  	s16 =	sshll.u32 s15, $0x4  }
0x89: {  	v2 =	vor.u32 s16, v62  }
0x8a: {  	v0 =	vmul.u32 $0x2A0, v2;
	v3 =	vshll.u32 v2, $0x5;
	v2 =	vadd.s32 s2, v62  }
0x8b: {  	v18 =	vand.u32 $0x18, v2;
	v20 =	vand.u32 $0x7, v2;
	v2 =	vand.u32 $0x1F, v2  }
0x8c: {  	v23 =	vadd.s32 $0x20, v0;
	v25 =	vadd.s32 $0x40, v0;
	v22 =	vadd.s32 $0x60, v0  }
0x8d: {  	v21 =	vadd.s32 $0x80, v0;
	v19 =	vadd.s32 $0xA0, v0;
	v17 =	vadd.s32 $0xC0, v0  }
0x8e: {  	v16 =	vadd.s32 $0xE0, v0;
	v15 =	vadd.s32 $0x100, v0;
	v14 =	vadd.s32 $0x120, v0  }
0x8f: {  	v13 =	vadd.s32 $0x140, v0;
	v12 =	vadd.s32 $0x160, v0;
	v10 =	vadd.s32 $0x180, v0  }
0x90: {  	v9 =	vadd.s32 $0x1A0, v0;
	v8 =	vadd.s32 $0x1C0, v0;
	v7 =	vadd.s32 $0x1E0, v0  }
0x91: {  	v4 =	vadd.s32 $0x200, v0;
	v1 =	vadd.s32 $0x220, v0;
	v6 =	vadd.s32 $0x280, v0  }
0x92: {  	[tilespmem:$0x1FEE0] =	vst v3;
	v3 =	vor.u32 v3, v18;
	v5 =	vadd.s32 $0x240, v0;
	v59 =	vadd.s32 $0x260, v0  }
0x93: {  	v55 =	vor.u32 v0, v2;
	v11 =	vor.u32 v20, v3;
	[tilespmem:$0x1FEF0] =	vst v6;
	v3 =	vor.u32 v6, v18  }
0x94: {  	[tilespmem:$0x1FF00] =	vst v23;
	v23 =	vor.u32 v23, v18;
	v27 =	vor.u32 v25, v18;
	v30 =	vor.u32 v22, v18  }
0x95: {  	v31 =	vor.u32 v21, v18;
	[tilespmem:$0x1FF10] =	vst v19;
	v32 =	vor.u32 v19, v18;
	v24 =	vor.u32 v20, v3  }
0x96: {  	[tilespmem:$0x1FF20] =	vst v17;
	v34 =	vor.u32 v17, v18;
	v35 =	vor.u32 v16, v18;
	v23 =	vor.u32 v20, v23  }
0x97: {  	[tilespmem:$0x1FF30] =	vst v16;
	v36 =	vor.u32 v15, v18;
	v37 =	vor.u32 v14, v18;
	v27 =	vor.u32 v20, v27  }
0x98: {  	[tilespmem:$0x1FF40] =	vst v15;
	v38 =	vor.u32 v13, v18;
	v39 =	vor.u32 v12, v18;
	v30 =	vor.u32 v20, v30  }
0x99: {  	v40 =	vor.u32 v10, v18;
	v41 =	vor.u32 v9, v18;
	v34 =	vor.u32 v20, v34;
	v11 =	vld.idx.msk [tilespmem:v11+s12+$0x0], $0xffff  }
0x9a: {  	v42 =	vor.u32 v8, v18;
	v44 =	vor.u32 v7, v18;
	v31 =	vor.u32 v20, v31;
	v24 =	vld.idx.msk [tilespmem:v24+s13+$0x0], $0xffff  }
0x9b: {  	v45 =	vor.u32 v4, v18;
	v46 =	vor.u32 v1, v18;
	v32 =	vor.u32 v20, v32;
	v23 =	vld.idx.msk [tilespmem:v23+s13+$0x0], $0xffff  }
0x9c: {  	v47 =	vor.u32 v5, v18;
	v18 =	vor.u32 v59, v18;
	v35 =	vor.u32 v20, v35;
	v27 =	vld.idx.msk [tilespmem:v27+s13+$0x0], $0xffff  }
0x9d: {  	[tilespmem:$0x1FF50] =	vst v14;
	v3 =	vimm.f32 $0.0e+00;
	v36 =	vor.u32 v20, v36;
	v37 =	vor.u32 v20, v37;
	v30 =	vld.idx.msk [tilespmem:v30+s13+$0x0], $0xffff  }
0x9e: {  	v48 =	vor.u32 v20, v38;
	v49 =	vor.u32 v20, v39;
	v50 =	vor.u32 v20, v40;
	v34 =	vld.idx.msk [tilespmem:v34+s13+$0x0], $0xffff  }
0x9f: {  	v51 =	vor.u32 v20, v41;
	v42 =	vor.u32 v20, v42;
	v53 =	vor.u32 v20, v45;
	v31 =	vld.idx.msk [tilespmem:v31+s13+$0x0], $0xffff  }
0xa0: {  	v52 =	vor.u32 v20, v44;
	v61 =	vor.u32 v20, v46;
	v56 =	vor.u32 v20, v47;
	v32 =	vld.idx.msk [tilespmem:v32+s13+$0x0], $0xffff  }
0xa1: {  	[tilespmem:$0x1FF60] =	vst v13;
	v58 =	vor.u32 v20, v18;
	v45 =	vimm.f32 $0.0e+00;
	v44 =	vimm.f32 $0.0e+00;
	v35 =	vld.idx.msk [tilespmem:v35+s13+$0x0], $0xffff  }
0xa2: {  	[tilespmem:$0x1FF70] =	vst v12;
	v20 =	vimm.f32 $0.0e+00;
	v24 =	vmul.f32 v24, v11;
	v23 =	vmul.f32 v23, v11  }
0xa3: {  	[tilespmem:$0x1FF80] =	vst v10;
	v18 =	vimm.f32 $0.0e+00;
	v36 =	vld.idx.msk [tilespmem:v36+s13+$0x0], $0xffff;
	v27 =	vmul.f32 v27, v11;
	v60 =	vmul.f32 v34, v11  }
0xa4: {  	v53 =	vld.idx.msk [tilespmem:v53+s13+$0x0], $0xffff;
	v2 =	vadd.f32 v24, v3;
	v41 =	vadd.f32 v23, v3;
	v23 =	vmul.f32 v30, v11  }
0xa5: {  	v24 =	vld.idx.msk [tilespmem:v37+s13+$0x0], $0xffff;
	v38 =	vadd.f32 v27, v3;
	v27 =	vmul.f32 v31, v11;
	v31 =	vmul.f32 v32, v11  }
0xa6: {  	[tilespmem:$0x1FF90] =	vst v9;
	v63 =	vmul.f32 v35, v11;
	v34 =	vimm.f32 $0.0e+00;
	v30 =	vld.idx.msk [tilespmem:v48+s13+$0x0], $0xffff;
	v39 =	vadd.f32 v23, v3  }
0xa7: {  	s17 =	simm.s32 $0x1;
	[tilespmem:$0x1FFA0] =	vst v8;
	v37 =	vimm.f32 $0.0e+00;
	v23 =	vld.idx.msk [tilespmem:v49+s13+$0x0], $0xffff;
	v40 =	vadd.f32 v27, v3;
	v35 =	vadd.f32 v31, v3  }
0xa8: {  	[tilespmem:$0x1FFB0] =	vst v7;
	v27 =	vmul.f32 v36, v11;
	v36 =	vadd.f32 v60, v3;
	v49 =	vld.idx.msk [tilespmem:v50+s13+$0x0], $0xffff;
	v60 =	vadd.s32 s17, v62  }
0xa9: {  	[tilespmem:$0x1FFF0] =	vst v59;
	v31 =	vadd.f32 v63, v3;
	v50 =	vld.idx.msk [tilespmem:v42+s13+$0x0], $0xffff;
	v42 =	vimm.f32 $0.0e+00;
	v59 =	vand.u32 $0x18, v60  }
0xaa: {  	v28 =	vmovc v0;
	[tilespmem:$0x1FFC0] =	vst v4;
	v48 =	vld.idx.msk [tilespmem:v51+s13+$0x0], $0xffff;
	v57 =	vand.u32 $0x1F, v60;
	v32 =	vadd.f32 v27, v3;
	v27 =	vimm.f32 $0.0e+00  }
0xab: {  	v29 =	vmovc v25;
	[tilespmem:$0x1FFD0] =	vst v1;
	v51 =	vld.idx.msk [tilespmem:v52+s13+$0x0], $0xffff;
	v54 =	vmul.f32 v24, v11;
	v47 =	vmul.f32 v30, v11;
	v30 =	vimm.f32 $0.0e+00  }
0xac: {  	v33 =	vmovc v22;
	v43 =	vmovc v21;
	[tilespmem:$0x1FFE0] =	vst v5;
	v52 =	vld.idx.msk [tilespmem:v61+s13+$0x0], $0xffff;
	s17 =	simm.s32 $0x2;
	v24 =	vimm.f32 $0.0e+00;
	v46 =	vmul.f32 v23, v11;
	v23 =	vimm.f32 $0.0e+00  }
.LBB2_4:
0xad: {  	v0 =	vld [tilespmem:$0x1FEE0]  }
0xae: {  	v63 =	vld.idx.msk [tilespmem:v56+s13+$0x0], $0xffff  }
0xaf: {  	v4 =	vld.idx.msk [tilespmem:v55+s13+$0x0], $0xffff  }
0xb0: {  	v6 =	vld [tilespmem:$0x1FF10]  }
0xb1: {  	v15 =	vld [tilespmem:$0x1FF20]  }
0xb2: {  	v7 =	vld [tilespmem:$0x1FF30]  }
0xb3: {  	v8 =	vld [tilespmem:$0x1FF40]  }
0xb4: {  	v9 =	vld [tilespmem:$0x1FF50]  }
0xb5: {  	v10 =	vld [tilespmem:$0x1FF60]  }
0xb6: {  	v12 =	vld [tilespmem:$0x1FF70]  }
0xb7: {  	v13 =	vld [tilespmem:$0x1FF80]  }
0xb8: {  	v61 =	vor.u32 v0, v59;
	v0 =	vld [tilespmem:$0x1FF00]  }
0xb9: {  	v14 =	vld [tilespmem:$0x1FF90]  }
0xba: {  	v16 =	vld [tilespmem:$0x1FFA0]  }
0xbb: {  	v60 =	vand.u32 $0x7, v60;
	v5 =	vor.u32 v43, v59;
	v17 =	vld [tilespmem:$0x1FFC0]  }
0xbc: {  	v19 =	vld [tilespmem:$0x1FFD0];
	v5 =	vor.u32 v60, v5;
	v3 =	vadd.f32 v54, v3;
	v56 =	vor.u32 v60, v61  }
0xbd: {  	v44 =	vadd.f32 v47, v44;
	v42 =	vadd.f32 v46, v42;
	v62 =	vor.u32 v0, v59;
	v0 =	vld [tilespmem:$0x1FEF0]  }
0xbe: {  	v21 =	vld [tilespmem:$0x1FFE0];
	v47 =	vmul.f32 v52, v11;
	v55 =	vor.u32 v6, v59;
	v6 =	vor.u32 v15, v59  }
0xbf: {  	v7 =	vor.u32 v7, v59;
	v8 =	vor.u32 v8, v59;
	v9 =	vor.u32 v9, v59  }
0xc0: {  	v22 =	vld [tilespmem:$0x1FFF0];
	v10 =	vor.u32 v10, v59;
	v12 =	vor.u32 v12, v59;
	v9 =	vor.u32 v60, v9  }
0xc1: {  	v13 =	vor.u32 v13, v59;
	v14 =	vor.u32 v14, v59;
	v17 =	vor.u32 v17, v59;
	v15 =	vld.idx.msk [tilespmem:v56+s12+$0x0], $0xffff  }
0xc2: {  	v6 =	vor.u32 v60, v6;
	v56 =	vor.u32 v16, v59;
	v16 =	vld [tilespmem:$0x1FFB0];
	v1 =	vor.u32 v0, v59  }
0xc3: {  	v19 =	vor.u32 v19, v59;
	v21 =	vor.u32 v21, v59;
	v1 =	vor.u32 v60, v1  }
0xc4: {  	v54 =	vmul.f32 v63, v11;
	v61 =	vor.u32 v29, v59;
	v8 =	vor.u32 v60, v8;
	v5 =	vld.idx.msk [tilespmem:v5+s13+$0x0], $0xffff  }
0xc5: {  	v25 =	vor.u32 v60, v55;
	v7 =	vor.u32 v60, v7;
	v10 =	vor.u32 v60, v10;
	v9 =	vld.idx.msk [tilespmem:v9+s13+$0x0], $0xffff  }
0xc6: {  	v12 =	vor.u32 v60, v12;
	v62 =	vor.u32 v60, v62;
	v0 =	vld.idx.msk [tilespmem:v58+s13+$0x0], $0xffff;
	v58 =	vor.u32 v33, v59  }
0xc7: {  	v6 =	vld.idx.msk [tilespmem:v6+s13+$0x0], $0xffff;
	v16 =	vor.u32 v16, v59;
	v59 =	vor.u32 v22, v59;
	v22 =	vor.u32 v60, v58  }
0xc8: {  	v13 =	vor.u32 v60, v13;
	v14 =	vor.u32 v60, v14;
	v17 =	vor.u32 v60, v17;
	v1 =	vld.idx.msk [tilespmem:v1+s13+$0x0], $0xffff  }
0xc9: {  	v19 =	vor.u32 v60, v19;
	v55 =	vor.u32 v28, v57;
	v61 =	vor.u32 v60, v61;
	v8 =	vld.idx.msk [tilespmem:v8+s13+$0x0], $0xffff  }
0xca: {  	v23 =	vadd.f32 v47, v23;
	v20 =	vadd.f32 v54, v20;
	v5 =	vmul.f32 v5, v15  }
0xcb: {  	v26 =	vor.u32 v60, v56;
	v56 =	vor.u32 v60, v21;
	v62 =	vld.idx.msk [tilespmem:v62+s13+$0x0], $0xffff;
	v54 =	vmul.f32 v9, v15  }
0xcc: {  	v16 =	vor.u32 v60, v16;
	v40 =	vadd.f32 v5, v40;
	v5 =	vmul.f32 v6, v15;
	v21 =	vld.idx.msk [tilespmem:v22+s13+$0x0], $0xffff  }
0xcd: {  	v58 =	vor.u32 v60, v59;
	v0 =	vmul.f32 v0, v11;
	v1 =	vmul.f32 v1, v15  }
0xce: {  	v57 =	vld.idx.msk [tilespmem:v61+s13+$0x0], $0xffff;
	v36 =	vadd.f32 v5, v36;
	v5 =	vmul.f32 v8, v15;
	v22 =	vmul.f32 v48, v11  }
0xcf: {  	v25 =	vld.idx.msk [tilespmem:v25+s13+$0x0], $0xffff;
	v2 =	vadd.f32 v1, v2;
	v1 =	vmul.f32 v4, v11;
	v4 =	vmul.f32 v49, v11  }
0xd0: {  	v7 =	vld.idx.msk [tilespmem:v7+s13+$0x0], $0xffff;
	v48 =	vmul.f32 v50, v11;
	v59 =	vmul.f32 v62, v15;
	v62 =	vlaneseq.u32  }
0xd1: {  	v10 =	vld.idx.msk [tilespmem:v10+s13+$0x0], $0xffff;
	v18 =	vadd.f32 v0, v18;
	v37 =	vadd.f32 v4, v37;
	v4 =	vmul.f32 v21, v15  }
0xd2: {  	v52 =	vld.idx.msk [tilespmem:v19+s13+$0x0], $0xffff;
	v32 =	vadd.f32 v5, v32;
	v45 =	vadd.f32 v1, v45;
	v1 =	vmul.f32 v51, v11  }
0xd3: {  	p0 =	sne.s32 s17, $0x1F;
	v49 =	vmul.f32 v53, v11;
	v11 =	vmul.f32 v57, v15;
	v39 =	vadd.f32 v4, v39;
	v4 =	vld.idx.msk [tilespmem:v12+s13+$0x0], $0xffff  }
.Ltmp0:
0xd4: {  	v50 =	vld.idx.msk [tilespmem:v26+s13+$0x0], $0xffff;
	v34 =	vadd.f32 v22, v34;
	v27 =	vadd.f32 v1, v27;
	v1 =	vmul.f32 v25, v15;
	(pc) =	sbr.rel @p0 .LBB2_4-.Ltmp0, $4  }
0xd5: {  	v60 =	vadd.s32 s17, v62;
	v41 =	vadd.f32 v59, v41;
	v30 =	vadd.f32 v48, v30;
	v48 =	vld.idx.msk [tilespmem:v14+s13+$0x0], $0xffff  }
0xd6: {  	v59 =	vand.u32 $0x18, v60;
	v53 =	vld.idx.msk [tilespmem:v17+s13+$0x0], $0xffff;
	v35 =	vadd.f32 v1, v35;
	v1 =	vmul.f32 v7, v15  }
0xd7: {  	v24 =	vadd.f32 v49, v24;
	v49 =	vld.idx.msk [tilespmem:v13+s13+$0x0], $0xffff;
	v57 =	vand.u32 $0x1F, v60;
	v38 =	vadd.f32 v11, v38;
	v11 =	vmovc v15  }
0xd8: {  	s17 =	sadd.s32 $0x1, s17;
	v51 =	vld.idx.msk [tilespmem:v16+s13+$0x0], $0xffff;
	v47 =	vmul.f32 v10, v11;
	v31 =	vadd.f32 v1, v31;
	v46 =	vmul.f32 v4, v11  }
0xd9: {  	_ = 	snop  }
0xda: {  	v1 =	vld [tilespmem:$0x1FEE0]  }
0xdb: {  	v4 =	vld [tilespmem:$0x1FEF0]  }
0xdc: {  	v5 =	vld [tilespmem:$0x1FF00]  }
0xdd: {  	v6 =	vld.idx.msk [tilespmem:v56+s13+$0x0], $0xffff  }
0xde: {  	v8 =	vld.idx.msk [tilespmem:v58+s13+$0x0], $0xffff  }
0xdf: {  	v12 =	vld.idx.msk [tilespmem:v55+s13+$0x0], $0xffff  }
0xe0: {  	v13 =	vld [tilespmem:$0x1FF10]  }
0xe1: {  	v14 =	vld [tilespmem:$0x1FF20]  }
0xe2: {  	v15 =	vld [tilespmem:$0x1FF30]  }
0xe3: {  	v16 =	vld [tilespmem:$0x1FF40]  }
0xe4: {  	v17 =	vld [tilespmem:$0x1FF50]  }
0xe5: {  	v19 =	vld [tilespmem:$0x1FF60]  }
0xe6: {  	v21 =	vld [tilespmem:$0x1FF70]  }
0xe7: {  	v22 =	vld [tilespmem:$0x1FF80]  }
0xe8: {  	v25 =	vor.u32 v28, v57;
	v26 =	vld [tilespmem:$0x1FF90]  }
0xe9: {  	v0 =	vand.u32 $0x7, v60;
	v7 =	vor.u32 v29, v59;
	v60 =	vld [tilespmem:$0x1FFA0]  }
0xea: {  	v9 =	vor.u32 v33, v59;
	v61 =	vld [tilespmem:$0x1FFB0];
	v7 =	vor.u32 v0, v7  }
0xeb: {  	v10 =	vor.u32 v43, v59;
	v33 =	vld [tilespmem:$0x1FFC0];
	v9 =	vor.u32 v0, v9  }
0xec: {  	v56 =	vld [tilespmem:$0x1FFD0];
	v10 =	vor.u32 v0, v10  }
0xed: {  	v1 =	vor.u32 v1, v59;
	v25 =	vld.idx.msk [tilespmem:v25+s13+$0x0], $0xffff  }
0xee: {  	v4 =	vor.u32 v4, v59;
	v28 =	vor.u32 v60, v59;
	v60 =	vld [tilespmem:$0x1FFE0];
	v1 =	vor.u32 v0, v1  }
0xef: {  	v5 =	vor.u32 v5, v59;
	v4 =	vor.u32 v0, v4;
	v7 =	vld.idx.msk [tilespmem:v7+s13+$0x0], $0xffff  }
0xf0: {  	v13 =	vor.u32 v13, v59;
	v5 =	vor.u32 v0, v5;
	v9 =	vld.idx.msk [tilespmem:v9+s13+$0x0], $0xffff  }
0xf1: {  	v14 =	vor.u32 v14, v59;
	v63 =	vor.u32 v61, v59;
	v13 =	vor.u32 v0, v13;
	v10 =	vld.idx.msk [tilespmem:v10+s13+$0x0], $0xffff  }
0xf2: {  	v15 =	vor.u32 v15, v59;
	v14 =	vor.u32 v0, v14;
	v57 =	vor.u32 v0, v63;
	v63 =	vld [tilespmem:$0x1FFF0]  }
0xf3: {  	v16 =	vor.u32 v16, v59;
	v15 =	vor.u32 v0, v15;
	v1 =	vld.idx.msk [tilespmem:v1+s12+$0x0], $0xffff  }
0xf4: {  	v17 =	vor.u32 v17, v59;
	v16 =	vor.u32 v0, v16;
	v4 =	vld.idx.msk [tilespmem:v4+s13+$0x0], $0xffff  }
0xf5: {  	v19 =	vor.u32 v19, v59;
	v17 =	vor.u32 v0, v17;
	v5 =	vld.idx.msk [tilespmem:v5+s13+$0x0], $0xffff  }
0xf6: {  	v21 =	vor.u32 v21, v59;
	v19 =	vor.u32 v0, v19;
	v13 =	vld.idx.msk [tilespmem:v13+s13+$0x0], $0xffff  }
0xf7: {  	v22 =	vor.u32 v22, v59;
	v21 =	vor.u32 v0, v21;
	v14 =	vld.idx.msk [tilespmem:v14+s13+$0x0], $0xffff  }
0xf8: {  	v26 =	vor.u32 v26, v59;
	v22 =	vor.u32 v0, v22;
	v15 =	vld.idx.msk [tilespmem:v15+s13+$0x0], $0xffff  }
0xf9: {  	v26 =	vor.u32 v0, v26;
	v16 =	vld.idx.msk [tilespmem:v16+s13+$0x0], $0xffff  }
0xfa: {  	v28 =	vor.u32 v0, v28;
	v17 =	vld.idx.msk [tilespmem:v17+s13+$0x0], $0xffff  }
0xfb: {  	v55 =	vor.u32 v33, v59;
	v19 =	vld.idx.msk [tilespmem:v19+s13+$0x0], $0xffff  }
0xfc: {  	v58 =	vor.u32 v56, v59;
	v33 =	vor.u32 v0, v55;
	v21 =	vld.idx.msk [tilespmem:v21+s13+$0x0], $0xffff  }
0xfd: {  	v43 =	vor.u32 v0, v58;
	v61 =	vor.u32 v60, v59;
	v22 =	vld.idx.msk [tilespmem:v22+s13+$0x0], $0xffff  }
0xfe: {  	v12 =	vmul.f32 v12, v11;
	v29 =	vor.u32 v63, v59;
	v55 =	vor.u32 v0, v61;
	v26 =	vld.idx.msk [tilespmem:v26+s13+$0x0], $0xffff  }
0xff: {  	v28 =	vld.idx.msk [tilespmem:v28+s13+$0x0], $0xffff;
	v0 =	vor.u32 v0, v29  }
0x100: {  	v12 =	vadd.f32 v12, v45;
	v56 =	vld.idx.msk [tilespmem:v57+s13+$0x0], $0xffff;
	v25 =	vmul.f32 v25, v1  }
0x101: {  	v33 =	vld.idx.msk [tilespmem:v33+s13+$0x0], $0xffff;
	v5 =	vmul.f32 v5, v1  }
0x102: {  	v43 =	vld.idx.msk [tilespmem:v43+s13+$0x0], $0xffff;
	v7 =	vmul.f32 v7, v1;
	v12 =	vadd.f32 v25, v12  }
0x103: {  	v57 =	vmul.f32 v49, v11;
	v49 =	vld.idx.msk [tilespmem:v55+s13+$0x0], $0xffff;
	v9 =	vmul.f32 v9, v1;
	v5 =	vadd.f32 v5, v41  }
0x104: {  	v10 =	vmul.f32 v10, v1;
	v0 =	vld.idx.msk [tilespmem:v0+s13+$0x0], $0xffff;
	v7 =	vadd.f32 v7, v38;
	[tilespmem:s16+$0x16C80] =	vst v12  }
0x105: {  	v13 =	vmul.f32 v13, v1;
	v9 =	vadd.f32 v9, v39;
	[tilespmem:s16+$0x16D00] =	vst v5  }
0x106: {  	v58 =	vmul.f32 v48, v11;
	v14 =	vmul.f32 v14, v1;
	v10 =	vadd.f32 v10, v40;
	[tilespmem:s16+$0x16D80] =	vst v7  }
0x107: {  	v15 =	vmul.f32 v15, v1;
	v13 =	vadd.f32 v13, v35;
	[tilespmem:s16+$0x16E00] =	vst v9  }
0x108: {  	v48 =	vadd.f32 v58, v34;
	v16 =	vmul.f32 v16, v1;
	v14 =	vadd.f32 v14, v36;
	[tilespmem:s16+$0x16E80] =	vst v10  }
0x109: {  	v59 =	vmul.f32 v50, v11;
	v50 =	vmul.f32 v26, v1;
	v38 =	vadd.f32 v15, v31;
	[tilespmem:s16+$0x16F00] =	vst v13  }
0x10a: {  	v63 =	vadd.f32 v47, v44;
	v16 =	vadd.f32 v16, v32;
	[tilespmem:s16+$0x16F80] =	vst v14  }
0x10b: {  	v40 =	vadd.f32 v46, v42;
	v42 =	vmul.f32 v19, v1;
	v55 =	vadd.f32 v50, v48;
	[tilespmem:s16+$0x17000] =	vst v38  }
0x10c: {  	v3 =	vadd.f32 v54, v3;
	v6 =	vmul.f32 v6, v11;
	[tilespmem:s16+$0x17080] =	vst v16  }
0x10d: {  	v39 =	vmul.f32 v17, v1;
	v7 =	vadd.f32 v42, v63;
	[tilespmem:s16+$0x17300] =	vst v55;
	v63 =	vimm.f32 $0.0e+00  }
0x10e: {  	v8 =	vmul.f32 v8, v11;
	v60 =	vmul.f32 v51, v11;
	[tilespmem:s16+$0x17700] =	vst v63  }
0x10f: {  	v61 =	vmul.f32 v53, v11;
	v44 =	vmul.f32 v21, v1;
	v3 =	vadd.f32 v39, v3;
	[tilespmem:s16+$0x17780] =	vst v63  }
0x110: {  	v51 =	vadd.f32 v59, v30;
	v47 =	vmul.f32 v22, v1;
	v46 =	vadd.f32 v57, v37;
	[tilespmem:s16+$0x17800] =	vst v63  }
0x111: {  	v35 =	vmul.f32 v52, v11;
	v52 =	vmul.f32 v28, v1;
	v11 =	vadd.f32 v44, v40;
	[tilespmem:s16+$0x17100] =	vst v3  }
0x112: {  	v53 =	vadd.f32 v60, v27;
	v54 =	vmul.f32 v56, v1;
	v10 =	vadd.f32 v47, v46;
	[tilespmem:s16+$0x17180] =	vst v7  }
0x113: {  	v56 =	vmul.f32 v33, v1;
	v5 =	vadd.f32 v61, v24;
	[tilespmem:s16+$0x17200] =	vst v11;
	v3 =	vadd.f32 v52, v51  }
0x114: {  	v57 =	vmul.f32 v43, v1;
	v9 =	vadd.f32 v35, v23;
	[tilespmem:s16+$0x17280] =	vst v10;
	v7 =	vadd.f32 v54, v53  }
0x115: {  	s15 =	sadd.s32 $0x1, s15;
	v6 =	vadd.f32 v6, v20;
	v58 =	vmul.f32 v49, v1;
	v5 =	vadd.f32 v56, v5;
	[tilespmem:s16+$0x17380] =	vst v3  }
0x116: {  	p0 =	sne.s32 s15, $0x8;
	v59 =	vadd.f32 v8, v18;
	v0 =	vmul.f32 v0, v1;
	v60 =	vadd.f32 v57, v9;
	[tilespmem:s16+$0x17400] =	vst v7  }
.Ltmp1:
0x117: {  	v1 =	vmul.f32 v4, v1;
	v61 =	vadd.f32 v58, v6;
	[tilespmem:s16+$0x17480] =	vst v5;
	(pc) =	sbr.rel @p0 .LBB2_3-.Ltmp1, $4  }
0x118: {  	v0 =	vadd.f32 v0, v59;
	[tilespmem:s16+$0x17500] =	vst v60  }
0x119: {  	v1 =	vadd.f32 v1, v2;
	[tilespmem:s16+$0x17580] =	vst v61  }
0x11a: {  	[tilespmem:s16+$0x17600] =	vst v0  }
0x11b: {  	[tilespmem:s16+$0x17680] =	vst v1  }
0x11c: {  	s1 =	sadd.s32 $0x1, s1  }
0x11d: {  	p0 =	sne.s32 s1, $0x4  }
.Ltmp2:
0x11e: {  	s2 =	sadd.s32 s7, s14;
	s17 =	simm.s32 $0x0;
	(pc) =	sbr.rel @p0 .LBB2_2-.Ltmp2, $4  }
0x11f: {  	[hbm4b:s2+s17] =	stream.linear.scatter [tilespmem:s9], [sflag:$0x2], $0xC00, $0x38;
	[tilespmem:$0x17880] =	vst v63  }
0x120: {  	_ =	swait.ge [sflag:s10], $0xC00  }
0x121: {  	[sflag:s10] =	ssyncset.done $0x0  }
0x122: {  	[sflag:s10] =	ssyncadd.s32 $0xFFFFF400  }
0x123: {  	s2 =	rddreg [dreg:$0x4]  }
0x124: {  	s1 =	rddreg [dreg:$0x3];
	s2 =	sadd.s32 $0x1, s2  }
0x125: {  	p0 =	sne.s32 s2, s1  }
.Ltmp3:
0x126: {  	_ = 	snop;
	(pc) =	sbr.rel @p0 .LBB2_1-.Ltmp3, $1  }
0x127: {  	_ =	sdelay $0x3  }
0x128: {  	_ =	sfence.sel $0x180000  }
0x129: {  	[bflag:$0x0] =	sbarrier.arrive $0xFFFF  }
0x12a: {  	_ =	strace $0x90000047  }
0x12b: {  	s0 =	stileid.u32;
	[bflag:$0x2] =	sbarrier.arrive $0xFFFF  }
0x12c: {  	p0 =	sne.s32 s0, $0x0;
	s0 =	rddreg [dreg:$0x2]  }
0x12d: {  	s0 =	sadd.s32 @!p0 $0x100000, s0  }
0x12e: {  	[sflag:s0] =	ssyncadd.tile.s32 @!p0 $0x1;
	_ =	shalt  }
.Lfunc_end2:
_tile_overlayer_lowered:
.L_overlay_start_2:
0x12f: {  	(tag) =	ssettag $0x2  }
0x130: {  	s0 =	rddreg [dreg:$0x0];
	s2 =	stileid.u32  }
0x131: {  	s1 =	rddreg [dreg:$0x1];
	p0 =	sne.s32 s2, $0x0  }
0x132: {  	s3 =	rddreg [dreg:$0x2];
	[bflag:$0x3] =	sbarrier.arrive $0xFFFF;
	s2 =	simm.s32 @!p0 $0x1C02  }
0x133: {  	[timem:s3], [sflag:s2] =	dma.local @!p0 [hbm:s0], s1  }
0x134: {  	s0 =	simm.s32 @!p0 $0x2  }
0x135: {  	_ =	swait.ge @!p0 [sflag:s0], s1  }
0x136: {  	s1 =	ssub.s32 @!p0 $0x0, s1;
	[sflag:s0] =	ssyncset.done @!p0 $0x0  }
0x137: {  	[sflag:s0] =	ssyncadd.s32 @!p0 s1  }
0x138: {  	[bflag:$0x3] =	sbarrier.arrive $0xFFFF  }
0x139: {  	_ =	shalt  }

</sc_bundles>
